<compile_context>
chip_gen: v7x
topology: tpu7x:2x2x1
jax: 0.10.2.dev20260603
libtpu: 0.0.44.dev20260713+nightly
codegen_flags: <defaults>
</compile_context>

<pallas_src>
import jax
import jax.numpy as jnp
from jax import lax
from jax.experimental import pallas as pl
from jax.experimental.pallas import tpu as pltpu
from jax.experimental.pallas import tpu_sc as plsc

_B = 32
_N = 1_000_000

_W = 32768
_C = 512

_SC_S = 196608
_SC_CH = 4096
_TC_B0 = _SC_S // _W

_K0 = 0
_K1 = 42

_ROT_A = (13, 15, 26, 6)
_ROT_B = (17, 29, 16, 24)


def _rotl(x, d):
    return (x << jnp.uint32(d)) | (x >> jnp.uint32(32 - d))


def _threefry_bits(x0, x1):
    ks0 = jnp.uint32(_K0)
    ks1 = jnp.uint32(_K1)
    ks2 = jnp.uint32(_K0 ^ _K1 ^ 0x1BD11BDA)
    ks = (ks0, ks1, ks2)
    rots = (_ROT_A, _ROT_B)
    x0 = x0 + ks0
    x1 = x1 + ks1
    for i in range(5):
        for r in rots[i % 2]:
            x0 = x0 + x1
            x1 = _rotl(x1, r)
            x1 = x0 ^ x1
        x0 = x0 + ks[(i + 1) % 3]
        x1 = x1 + ks[(i + 2) % 3] + jnp.uint32(i + 1)
    return x0 ^ x1


def _bits_to_uniform(bits):
    fbits = (bits >> jnp.uint32(9)) | jnp.uint32(0x3F800000)
    u01 = lax.bitcast_convert_type(fbits, jnp.float32) - jnp.float32(1.0)
    minval = jnp.float32(1e-7)
    maxval = jnp.float32(1.0 - 1e-7)
    return jnp.maximum(minval, u01 * (maxval - minval) + minval)



def _gumbel_tc(lin_u32):
    u = _bits_to_uniform(_threefry_bits(jnp.zeros_like(lin_u32), lin_u32))
    return -jnp.log(-jnp.log(u))


def _tc_kernel(logits_ref, idx_ref, max_ref, runm_ref, runc_ref):
    j = pl.program_id(0)
    n_steps = pl.num_programs(0)
    base = (j + _TC_B0) * _W
    col0 = lax.broadcasted_iota(jnp.int32, (_B, _C), 1)
    rowoff = lax.broadcasted_iota(jnp.int32, (_B, _C), 0) * _N

    def make_body(masked):
        def body(k, carry):
            runm, runc = carry
            cbase = base + k * _C
            col = col0 + cbase
            lin = (rowoff + col).astype(jnp.uint32)
            x = logits_ref[:, pl.ds(k * _C, _C)] + _gumbel_tc(lin)
            if masked:
                x = jnp.where(col < _N, x, -jnp.inf)
            better = x > runm
            runm = jnp.where(better, x, runm)
            runc = jnp.where(better, col, runc)
            return runm, runc
        return body

    @pl.when(j == 0)
    def _init():
        runm_ref[...] = jnp.full((_B, _C), -jnp.inf, jnp.float32)
        runc_ref[...] = jnp.zeros((_B, _C), jnp.int32)

    @pl.when(j < n_steps - 1)
    def _main():
        init = (runm_ref[...], runc_ref[...])
        runm, runc = lax.fori_loop(0, _W // _C, make_body(False), init)
        runm_ref[...] = runm
        runc_ref[...] = runc

    @pl.when(j == n_steps - 1)
    def _finish():
        init = (runm_ref[...], runc_ref[...])
        runm, runc = lax.fori_loop(0, _W // _C, make_body(True), init)
        m = jnp.max(runm, axis=1, keepdims=True)
        big = jnp.int32(0x7FFFFFFF)
        bidx = jnp.min(jnp.where(runm == m, runc, big), axis=1, keepdims=True)
        max_ref[...] = m
        idx_ref[...] = bidx


def _tc_call(logits):
    n_blocks = pl.cdiv(_N - _SC_S, _W)
    idx, m = pl.pallas_call(
        _tc_kernel,
        grid=(n_blocks,),
        in_specs=[pl.BlockSpec((_B, _W), lambda j: (0, j + _TC_B0))],
        out_specs=[
            pl.BlockSpec((_B, 1), lambda j: (0, 0)),
            pl.BlockSpec((_B, 1), lambda j: (0, 0)),
        ],
        out_shape=[
            jax.ShapeDtypeStruct((_B, 1), jnp.int32),
            jax.ShapeDtypeStruct((_B, 1), jnp.float32),
        ],
        scratch_shapes=[
            pltpu.VMEM((_B, _C), jnp.float32),
            pltpu.VMEM((_B, _C), jnp.int32),
        ],
    )(logits)
    return idx, m



_LN2_HI = 0.69314575
_LN2_LO = 1.42860677e-06


def _log_sc(x):
    xb = lax.bitcast_convert_type(x, jnp.int32)
    k = (xb >> 23) - 127
    m = lax.bitcast_convert_type(
        (xb & jnp.int32(0x7FFFFF)) | jnp.int32(0x3F800000), jnp.float32)
    big = m > jnp.float32(1.4142135)
    m = jnp.where(big, m * jnp.float32(0.5), m)
    k = (k + jnp.where(big, jnp.int32(1), jnp.int32(0))).astype(jnp.float32)
    s = (m - jnp.float32(1.0)) / (m + jnp.float32(1.0))
    s2 = s * s
    p = s2 * (jnp.float32(1 / 3) + s2 * (jnp.float32(1 / 5)
              + s2 * jnp.float32(1 / 7)))
    t = jnp.float32(2.0) * (s + s * p)
    return k * jnp.float32(_LN2_HI) + (k * jnp.float32(_LN2_LO) + t)


def _gumbel_sc(lin_u32):
    u = _bits_to_uniform(_threefry_bits(jnp.zeros_like(lin_u32), lin_u32))
    return -_log_sc(-_log_sc(u))


def _sc_body(flat_hbm, outm_hbm, outc_hbm, buf, runm_ref, runc_ref):
    c = lax.axis_index("c")
    s = lax.axis_index("s")
    row = s * 2 + c
    lane = lax.iota(jnp.int32, 16)
    rowoff = row * _N
    flatbase = row * _SC_S

    def chunk_body(t, carry):
        cbase = t * _SC_CH
        pltpu.sync_copy(flat_hbm.at[pl.ds(flatbase + cbase, _SC_CH)], buf)

        def vec_body(v, carry2):
            runm_a, runc_a, runm_b, runc_b = carry2
            col_a = (cbase + v * 32) + lane
            col_b = col_a + 16
            x_a = buf[pl.ds(v * 32, 16)] \
                + _gumbel_sc((rowoff + col_a).astype(jnp.uint32))
            x_b = buf[pl.ds(v * 32 + 16, 16)] \
                + _gumbel_sc((rowoff + col_b).astype(jnp.uint32))
            ba = x_a > runm_a
            runm_a = jnp.where(ba, x_a, runm_a)
            runc_a = jnp.where(ba, col_a, runc_a)
            bb = x_b > runm_b
            runm_b = jnp.where(bb, x_b, runm_b)
            runc_b = jnp.where(bb, col_b, runc_b)
            return runm_a, runc_a, runm_b, runc_b

        return lax.fori_loop(0, _SC_CH // 32, vec_body, carry)

    runm0 = jnp.full((16,), -jnp.inf, jnp.float32)
    runc0 = jnp.zeros((16,), jnp.int32)
    runm_a, runc_a, runm_b, runc_b = lax.fori_loop(
        0, _SC_S // _SC_CH, chunk_body, (runm0, runc0, runm0, runc0))
    bb = runm_b > runm_a
    runm_ref[...] = jnp.where(bb, runm_b, runm_a)
    runc_ref[...] = jnp.where(bb, runc_b, runc_a)
    pltpu.sync_copy(runm_ref, outm_hbm.at[row])
    pltpu.sync_copy(runc_ref, outc_hbm.at[row])


def _sc_call(flat):
    mesh = plsc.VectorSubcoreMesh(core_axis_name="c", subcore_axis_name="s")
    fn = pl.kernel(
        _sc_body,
        out_type=[
            jax.ShapeDtypeStruct((_B, 16), jnp.float32),
            jax.ShapeDtypeStruct((_B, 16), jnp.int32),
        ],
        mesh=mesh,
        scratch_types=[
            pltpu.MemorySpace.VMEM((_SC_CH,), jnp.float32),
            pltpu.MemorySpace.VMEM((16,), jnp.float32),
            pltpu.MemorySpace.VMEM((16,), jnp.int32),
        ],
        compiler_params=pltpu.CompilerParams(use_tc_tiling_on_sc=False),
    )
    return fn(flat)



def kernel(logits):
    flat = jnp.reshape(lax.slice(logits, (0, 0), (_B, _SC_S)), (_B * _SC_S,))
    sc_m, sc_c = _sc_call(flat)
    tc_idx, tc_m = _tc_call(logits)
    big = jnp.int32(0x7FFFFFFF)
    scm = jnp.max(sc_m, axis=1)
    scc = jnp.min(jnp.where(sc_m == scm[:, None], sc_c, big), axis=1)
    tcm = tc_m[:, 0]
    tcc = tc_idx[:, 0]
    return jnp.where(scm > tcm, scc, tcc).astype(jnp.int32)

# --- scband reference (transcript-rebuilt; emitter-appended) ---
"""Pipeline reference for scband-categorical-sample-30039001269085 (READ-ONLY COPY).

The authoritative reference and input builder live on the scoring server;
editing this copy changes nothing except your own understanding.
"""

import jax, jax.numpy as jnp
import numpy as np


def setup_inputs(seed: int = 0) -> dict:
    key = jax.random.key(seed)
    logits = jax.random.normal(key, (32, 1000000), dtype=jnp.float32)
    return {"logits": logits}


def reference(logits):
    # tf.random.categorical(logits, 1) samples one class index per row from the
    # categorical distribution defined by (unnormalized) log-probabilities.
    # Faithful Gumbel-max implementation: argmax(logits + Gumbel noise).
    key = jax.random.key(42)
    u = jax.random.uniform(key, logits.shape, dtype=logits.dtype, minval=1e-7, maxval=1.0 - 1e-7)
    gumbel = -jnp.log(-jnp.log(u))
    # tf.squeeze(..., axis=-1) on [B, 1] -> [B]
    return jnp.argmax(logits + gumbel, axis=-1)

if __name__ == "__main__":
    import jax
    _d = setup_inputs()
    print(jax.jit(kernel)(*tuple(_d.values())))

</pallas_src>

<mosaic_0001>
#map = affine_map<(d0, d1) -> (0)>
#map1 = affine_map<(d0, d1) -> (0, 0)>
module attributes {stable_mosaic.version = 14 : i64} {
  func.func @_sc_body(%arg0: i32, %arg1: i32, %arg2: memref<6291456xf32, #tpu.memory_space<hbm>>, %arg3: memref<32x16xf32, #tpu.memory_space<hbm>>, %arg4: memref<32x16xi32, #tpu.memory_space<hbm>>, %arg5: memref<4096xf32, #tpu.memory_space<vmem>>, %arg6: memref<16xf32, #tpu.memory_space<vmem>>, %arg7: memref<16xi32, #tpu.memory_space<vmem>>) attributes {dimension_semantics = [#tpu.dimension_semantics<core_parallel>, #tpu.dimension_semantics<subcore_parallel>], iteration_bounds = array<i64: 2, 16>, scalar_prefetch = 0 : i64, scratch_operands = 3 : i64, tpu.core_type = #tpu.core_type<sc_vector_subcore>, window_params = [{transform_indices = #map}, {transform_indices = #map1}, {transform_indices = #map1}]} {
    %mul3A = arith.constant 2 : i32
    %mul3A_0 = arith.muli %arg1, %mul3A : i32
    %add3A = arith.addi %mul3A_0, %arg0 : i32
    %iota3A = tpu.iota {dimensions = array<i32: 0>} : vector<16xi32>
    %mul3A_1 = arith.constant 1000000 : i32
    %mul3A_2 = arith.muli %add3A, %mul3A_1 : i32
    %mul3A_3 = arith.constant 196608 : i32
    %mul3A_4 = arith.muli %add3A, %mul3A_3 : i32
    %broadcast_in_dim3A = arith.constant 0xFF800000 : f32
    %broadcast_in_dim3A_5 = vector.broadcast %broadcast_in_dim3A : f32 to vector<16xf32>
    %broadcast_in_dim3A_6 = arith.constant 0 : i32
    %broadcast_in_dim3A_7 = vector.broadcast %broadcast_in_dim3A_6 : i32 to vector<16xi32>
    %scan3A = arith.constant 0 : i32
    %scan3A_8 = arith.constant 48 : i32
    %scan3A_9 = arith.addi %scan3A, %scan3A_8 : i32
    %scan3A_10 = arith.constant 1 : i32
    %scan3A_11:4 = scf.for %scan3A_21 = %scan3A to %scan3A_9 step %scan3A_10 iter_args(%scan3A_22 = %broadcast_in_dim3A_5, %scan3A_23 = %broadcast_in_dim3A_7, %scan3A_24 = %broadcast_in_dim3A_5, %scan3A_25 = %broadcast_in_dim3A_7) -> (vector<16xf32>, vector<16xi32>, vector<16xf32>, vector<16xi32>)  : i32 {
      %mul3A_26 = arith.constant 4096 : i32
      %mul3A_27 = arith.muli %scan3A_21, %mul3A_26 : i32
      %add3A_28 = arith.addi %mul3A_4, %mul3A_27 : i32
      "tpu.region"() ({
        %run_scoped3A = tpu.sem_alloc : memref<!tpu.dma_semaphore, #tpu.memory_space<semaphore_mem>>
        %dma_start3A = tpu.memref_slice %arg2[%add3A_28] : memref<6291456xf32, #tpu.memory_space<hbm>> -> memref<4096xf32, #tpu.memory_space<hbm>>
        %dma_start3A_35 = tpu.memref_slice %arg2[%add3A_28] : memref<6291456xf32, #tpu.memory_space<hbm>> -> memref<4096xf32, #tpu.memory_space<hbm>>
        tpu.enqueue_dma source(%dma_start3A_35 : memref<4096xf32, #tpu.memory_space<hbm>>) target(%arg5 : memref<4096xf32, #tpu.memory_space<vmem>>) target_semaphore(%run_scoped3A : memref<!tpu.dma_semaphore, #tpu.memory_space<semaphore_mem>>)
        %dma_wait3A = tpu.memref_slice %arg2[%add3A_28] : memref<6291456xf32, #tpu.memory_space<hbm>> -> memref<4096xf32, #tpu.memory_space<hbm>>
        %dma_wait3A_36 = tpu.memref_slice %arg2[%add3A_28] : memref<6291456xf32, #tpu.memory_space<hbm>> -> memref<4096xf32, #tpu.memory_space<hbm>>
        tpu.wait_dma2 semaphore(%run_scoped3A : memref<!tpu.dma_semaphore, #tpu.memory_space<semaphore_mem>>) src(%dma_wait3A_36 : memref<4096xf32, #tpu.memory_space<hbm>>) dst(%arg5 : memref<4096xf32, #tpu.memory_space<vmem>>)
        tpu.yield
      }) : () -> ()
      %scan3A_29 = arith.constant 0 : i32
      %scan3A_30 = arith.constant 128 : i32
      %scan3A_31 = arith.addi %scan3A_29, %scan3A_30 : i32
      %scan3A_32 = arith.constant 1 : i32
      %scan3A_33:4 = scf.for %scan3A_35 = %scan3A_29 to %scan3A_31 step %scan3A_32 iter_args(%scan3A_36 = %scan3A_22, %scan3A_37 = %scan3A_23, %scan3A_38 = %scan3A_24, %scan3A_39 = %scan3A_25) -> (vector<16xf32>, vector<16xi32>, vector<16xf32>, vector<16xi32>)  : i32 {
        %mul3A_40 = arith.constant 32 : i32
        %mul3A_41 = arith.muli %scan3A_35, %mul3A_40 : i32
        %add3A_42 = arith.addi %mul3A_27, %mul3A_41 : i32
        %add3A_43 = vector.broadcast %add3A_42 : i32 to vector<16xi32>
        %add3A_44 = arith.addi %add3A_43, %iota3A : vector<16xi32>
        %add3A_45 = arith.constant 16 : i32
        %add3A_46 = vector.broadcast %add3A_45 : i32 to vector<16xi32>
        %add3A_47 = arith.addi %add3A_44, %add3A_46 : vector<16xi32>
        %mul3A_48 = arith.constant 32 : i32
        %mul3A_49 = arith.muli %scan3A_35, %mul3A_48 : i32
        %get3A = arith.index_cast %mul3A_49 : i32 to index
        %get3A_50 = tpu.vector_load %arg5[%get3A] {strides = array<i32>} : memref<4096xf32, #tpu.memory_space<vmem>>, vector<16xf32>,
        %get3A_51 = vector.shape_cast %get3A_50 : vector<16xf32> to vector<16xf32>
        %add3A_52 = vector.broadcast %mul3A_2 : i32 to vector<16xi32>
        %add3A_53 = arith.addi %add3A_52, %add3A_44 : vector<16xi32>
        %broadcast_in_dim3A_54 = arith.constant 0 : i32
        %broadcast_in_dim3A_55 = vector.broadcast %broadcast_in_dim3A_54 : i32 to vector<16xi32>
        %add3A_56 = arith.constant 0 : i32
        %add3A_57 = vector.broadcast %add3A_56 : i32 to vector<16xi32>
        %add3A_58 = arith.addi %broadcast_in_dim3A_55, %add3A_57 : vector<16xi32>
        %add3A_59 = arith.constant 42 : i32
        %add3A_60 = vector.broadcast %add3A_59 : i32 to vector<16xi32>
        %add3A_61 = arith.addi %add3A_53, %add3A_60 : vector<16xi32>
        %add3A_62 = arith.addi %add3A_58, %add3A_61 : vector<16xi32>
        %shift_left3A = arith.constant 13 : i32
        %shift_left3A_63 = vector.broadcast %shift_left3A : i32 to vector<16xi32>
        %shift_left3A_64 = arith.shli %add3A_61, %shift_left3A_63 : vector<16xi32>
        %shift_right_logical3A = arith.constant 19 : i32
        %shift_right_logical3A_65 = vector.broadcast %shift_right_logical3A : i32 to vector<16xi32>
        %shift_right_logical3A_66 = arith.shrui %add3A_61, %shift_right_logical3A_65 : vector<16xi32>
        %or3A = arith.ori %shift_left3A_64, %shift_right_logical3A_66 : vector<16xi32>
        %xor3A = arith.xori %add3A_62, %or3A : vector<16xi32>
        %add3A_67 = arith.addi %add3A_62, %xor3A : vector<16xi32>
        %shift_left3A_68 = arith.constant 15 : i32
        %shift_left3A_69 = vector.broadcast %shift_left3A_68 : i32 to vector<16xi32>
        %shift_left3A_70 = arith.shli %xor3A, %shift_left3A_69 : vector<16xi32>
        %shift_right_logical3A_71 = arith.constant 17 : i32
        %shift_right_logical3A_72 = vector.broadcast %shift_right_logical3A_71 : i32 to vector<16xi32>
        %shift_right_logical3A_73 = arith.shrui %xor3A, %shift_right_logical3A_72 : vector<16xi32>
        %or3A_74 = arith.ori %shift_left3A_70, %shift_right_logical3A_73 : vector<16xi32>
        %xor3A_75 = arith.xori %add3A_67, %or3A_74 : vector<16xi32>
        %add3A_76 = arith.addi %add3A_67, %xor3A_75 : vector<16xi32>
        %shift_left3A_77 = arith.constant 26 : i32
        %shift_left3A_78 = vector.broadcast %shift_left3A_77 : i32 to vector<16xi32>
        %shift_left3A_79 = arith.shli %xor3A_75, %shift_left3A_78 : vector<16xi32>
        %shift_right_logical3A_80 = arith.constant 6 : i32
        %shift_right_logical3A_81 = vector.broadcast %shift_right_logical3A_80 : i32 to vector<16xi32>
        %shift_right_logical3A_82 = arith.shrui %xor3A_75, %shift_right_logical3A_81 : vector<16xi32>
        %or3A_83 = arith.ori %shift_left3A_79, %shift_right_logical3A_82 : vector<16xi32>
        %xor3A_84 = arith.xori %add3A_76, %or3A_83 : vector<16xi32>
        %add3A_85 = arith.addi %add3A_76, %xor3A_84 : vector<16xi32>
        %shift_left3A_86 = arith.constant 6 : i32
        %shift_left3A_87 = vector.broadcast %shift_left3A_86 : i32 to vector<16xi32>
        %shift_left3A_88 = arith.shli %xor3A_84, %shift_left3A_87 : vector<16xi32>
        %shift_right_logical3A_89 = arith.constant 26 : i32
        %shift_right_logical3A_90 = vector.broadcast %shift_right_logical3A_89 : i32 to vector<16xi32>
        %shift_right_logical3A_91 = arith.shrui %xor3A_84, %shift_right_logical3A_90 : vector<16xi32>
        %or3A_92 = arith.ori %shift_left3A_88, %shift_right_logical3A_91 : vector<16xi32>
        %xor3A_93 = arith.xori %add3A_85, %or3A_92 : vector<16xi32>
        %add3A_94 = arith.constant 42 : i32
        %add3A_95 = vector.broadcast %add3A_94 : i32 to vector<16xi32>
        %add3A_96 = arith.addi %add3A_85, %add3A_95 : vector<16xi32>
        %add3A_97 = arith.constant 466689008 : i32
        %add3A_98 = vector.broadcast %add3A_97 : i32 to vector<16xi32>
        %add3A_99 = arith.addi %xor3A_93, %add3A_98 : vector<16xi32>
        %add3A_100 = arith.constant 1 : i32
        %add3A_101 = vector.broadcast %add3A_100 : i32 to vector<16xi32>
        %add3A_102 = arith.addi %add3A_99, %add3A_101 : vector<16xi32>
        %add3A_103 = arith.addi %add3A_96, %add3A_102 : vector<16xi32>
        %shift_left3A_104 = arith.constant 17 : i32
        %shift_left3A_105 = vector.broadcast %shift_left3A_104 : i32 to vector<16xi32>
        %shift_left3A_106 = arith.shli %add3A_102, %shift_left3A_105 : vector<16xi32>
        %shift_right_logical3A_107 = arith.constant 15 : i32
        %shift_right_logical3A_108 = vector.broadcast %shift_right_logical3A_107 : i32 to vector<16xi32>
        %shift_right_logical3A_109 = arith.shrui %add3A_102, %shift_right_logical3A_108 : vector<16xi32>
        %or3A_110 = arith.ori %shift_left3A_106, %shift_right_logical3A_109 : vector<16xi32>
        %xor3A_111 = arith.xori %add3A_103, %or3A_110 : vector<16xi32>
        %add3A_112 = arith.addi %add3A_103, %xor3A_111 : vector<16xi32>
        %shift_left3A_113 = arith.constant 29 : i32
        %shift_left3A_114 = vector.broadcast %shift_left3A_113 : i32 to vector<16xi32>
        %shift_left3A_115 = arith.shli %xor3A_111, %shift_left3A_114 : vector<16xi32>
        %shift_right_logical3A_116 = arith.constant 3 : i32
        %shift_right_logical3A_117 = vector.broadcast %shift_right_logical3A_116 : i32 to vector<16xi32>
        %shift_right_logical3A_118 = arith.shrui %xor3A_111, %shift_right_logical3A_117 : vector<16xi32>
        %or3A_119 = arith.ori %shift_left3A_115, %shift_right_logical3A_118 : vector<16xi32>
        %xor3A_120 = arith.xori %add3A_112, %or3A_119 : vector<16xi32>
        %add3A_121 = arith.addi %add3A_112, %xor3A_120 : vector<16xi32>
        %shift_left3A_122 = arith.constant 16 : i32
        %shift_left3A_123 = vector.broadcast %shift_left3A_122 : i32 to vector<16xi32>
        %shift_left3A_124 = arith.shli %xor3A_120, %shift_left3A_123 : vector<16xi32>
        %shift_right_logical3A_125 = arith.constant 16 : i32
        %shift_right_logical3A_126 = vector.broadcast %shift_right_logical3A_125 : i32 to vector<16xi32>
        %shift_right_logical3A_127 = arith.shrui %xor3A_120, %shift_right_logical3A_126 : vector<16xi32>
        %or3A_128 = arith.ori %shift_left3A_124, %shift_right_logical3A_127 : vector<16xi32>
        %xor3A_129 = arith.xori %add3A_121, %or3A_128 : vector<16xi32>
        %add3A_130 = arith.addi %add3A_121, %xor3A_129 : vector<16xi32>
        %shift_left3A_131 = arith.constant 24 : i32
        %shift_left3A_132 = vector.broadcast %shift_left3A_131 : i32 to vector<16xi32>
        %shift_left3A_133 = arith.shli %xor3A_129, %shift_left3A_132 : vector<16xi32>
        %shift_right_logical3A_134 = arith.constant 8 : i32
        %shift_right_logical3A_135 = vector.broadcast %shift_right_logical3A_134 : i32 to vector<16xi32>
        %shift_right_logical3A_136 = arith.shrui %xor3A_129, %shift_right_logical3A_135 : vector<16xi32>
        %or3A_137 = arith.ori %shift_left3A_133, %shift_right_logical3A_136 : vector<16xi32>
        %xor3A_138 = arith.xori %add3A_130, %or3A_137 : vector<16xi32>
        %add3A_139 = arith.constant 466689008 : i32
        %add3A_140 = vector.broadcast %add3A_139 : i32 to vector<16xi32>
        %add3A_141 = arith.addi %add3A_130, %add3A_140 : vector<16xi32>
        %add3A_142 = arith.constant 0 : i32
        %add3A_143 = vector.broadcast %add3A_142 : i32 to vector<16xi32>
        %add3A_144 = arith.addi %xor3A_138, %add3A_143 : vector<16xi32>
        %add3A_145 = arith.constant 2 : i32
        %add3A_146 = vector.broadcast %add3A_145 : i32 to vector<16xi32>
        %add3A_147 = arith.addi %add3A_144, %add3A_146 : vector<16xi32>
        %add3A_148 = arith.addi %add3A_141, %add3A_147 : vector<16xi32>
        %shift_left3A_149 = arith.constant 13 : i32
        %shift_left3A_150 = vector.broadcast %shift_left3A_149 : i32 to vector<16xi32>
        %shift_left3A_151 = arith.shli %add3A_147, %shift_left3A_150 : vector<16xi32>
        %shift_right_logical3A_152 = arith.constant 19 : i32
        %shift_right_logical3A_153 = vector.broadcast %shift_right_logical3A_152 : i32 to vector<16xi32>
        %shift_right_logical3A_154 = arith.shrui %add3A_147, %shift_right_logical3A_153 : vector<16xi32>
        %or3A_155 = arith.ori %shift_left3A_151, %shift_right_logical3A_154 : vector<16xi32>
        %xor3A_156 = arith.xori %add3A_148, %or3A_155 : vector<16xi32>
        %add3A_157 = arith.addi %add3A_148, %xor3A_156 : vector<16xi32>
        %shift_left3A_158 = arith.constant 15 : i32
        %shift_left3A_159 = vector.broadcast %shift_left3A_158 : i32 to vector<16xi32>
        %shift_left3A_160 = arith.shli %xor3A_156, %shift_left3A_159 : vector<16xi32>
        %shift_right_logical3A_161 = arith.constant 17 : i32
        %shift_right_logical3A_162 = vector.broadcast %shift_right_logical3A_161 : i32 to vector<16xi32>
        %shift_right_logical3A_163 = arith.shrui %xor3A_156, %shift_right_logical3A_162 : vector<16xi32>
        %or3A_164 = arith.ori %shift_left3A_160, %shift_right_logical3A_163 : vector<16xi32>
        %xor3A_165 = arith.xori %add3A_157, %or3A_164 : vector<16xi32>
        %add3A_166 = arith.addi %add3A_157, %xor3A_165 : vector<16xi32>
        %shift_left3A_167 = arith.constant 26 : i32
        %shift_left3A_168 = vector.broadcast %shift_left3A_167 : i32 to vector<16xi32>
        %shift_left3A_169 = arith.shli %xor3A_165, %shift_left3A_168 : vector<16xi32>
        %shift_right_logical3A_170 = arith.constant 6 : i32
        %shift_right_logical3A_171 = vector.broadcast %shift_right_logical3A_170 : i32 to vector<16xi32>
        %shift_right_logical3A_172 = arith.shrui %xor3A_165, %shift_right_logical3A_171 : vector<16xi32>
        %or3A_173 = arith.ori %shift_left3A_169, %shift_right_logical3A_172 : vector<16xi32>
        %xor3A_174 = arith.xori %add3A_166, %or3A_173 : vector<16xi32>
        %add3A_175 = arith.addi %add3A_166, %xor3A_174 : vector<16xi32>
        %shift_left3A_176 = arith.constant 6 : i32
        %shift_left3A_177 = vector.broadcast %shift_left3A_176 : i32 to vector<16xi32>
        %shift_left3A_178 = arith.shli %xor3A_174, %shift_left3A_177 : vector<16xi32>
        %shift_right_logical3A_179 = arith.constant 26 : i32
        %shift_right_logical3A_180 = vector.broadcast %shift_right_logical3A_179 : i32 to vector<16xi32>
        %shift_right_logical3A_181 = arith.shrui %xor3A_174, %shift_right_logical3A_180 : vector<16xi32>
        %or3A_182 = arith.ori %shift_left3A_178, %shift_right_logical3A_181 : vector<16xi32>
        %xor3A_183 = arith.xori %add3A_175, %or3A_182 : vector<16xi32>
        %add3A_184 = arith.constant 0 : i32
        %add3A_185 = vector.broadcast %add3A_184 : i32 to vector<16xi32>
        %add3A_186 = arith.addi %add3A_175, %add3A_185 : vector<16xi32>
        %add3A_187 = arith.constant 42 : i32
        %add3A_188 = vector.broadcast %add3A_187 : i32 to vector<16xi32>
        %add3A_189 = arith.addi %xor3A_183, %add3A_188 : vector<16xi32>
        %add3A_190 = arith.constant 3 : i32
        %add3A_191 = vector.broadcast %add3A_190 : i32 to vector<16xi32>
        %add3A_192 = arith.addi %add3A_189, %add3A_191 : vector<16xi32>
        %add3A_193 = arith.addi %add3A_186, %add3A_192 : vector<16xi32>
        %shift_left3A_194 = arith.constant 17 : i32
        %shift_left3A_195 = vector.broadcast %shift_left3A_194 : i32 to vector<16xi32>
        %shift_left3A_196 = arith.shli %add3A_192, %shift_left3A_195 : vector<16xi32>
        %shift_right_logical3A_197 = arith.constant 15 : i32
        %shift_right_logical3A_198 = vector.broadcast %shift_right_logical3A_197 : i32 to vector<16xi32>
        %shift_right_logical3A_199 = arith.shrui %add3A_192, %shift_right_logical3A_198 : vector<16xi32>
        %or3A_200 = arith.ori %shift_left3A_196, %shift_right_logical3A_199 : vector<16xi32>
        %xor3A_201 = arith.xori %add3A_193, %or3A_200 : vector<16xi32>
        %add3A_202 = arith.addi %add3A_193, %xor3A_201 : vector<16xi32>
        %shift_left3A_203 = arith.constant 29 : i32
        %shift_left3A_204 = vector.broadcast %shift_left3A_203 : i32 to vector<16xi32>
        %shift_left3A_205 = arith.shli %xor3A_201, %shift_left3A_204 : vector<16xi32>
        %shift_right_logical3A_206 = arith.constant 3 : i32
        %shift_right_logical3A_207 = vector.broadcast %shift_right_logical3A_206 : i32 to vector<16xi32>
        %shift_right_logical3A_208 = arith.shrui %xor3A_201, %shift_right_logical3A_207 : vector<16xi32>
        %or3A_209 = arith.ori %shift_left3A_205, %shift_right_logical3A_208 : vector<16xi32>
        %xor3A_210 = arith.xori %add3A_202, %or3A_209 : vector<16xi32>
        %add3A_211 = arith.addi %add3A_202, %xor3A_210 : vector<16xi32>
        %shift_left3A_212 = arith.constant 16 : i32
        %shift_left3A_213 = vector.broadcast %shift_left3A_212 : i32 to vector<16xi32>
        %shift_left3A_214 = arith.shli %xor3A_210, %shift_left3A_213 : vector<16xi32>
        %shift_right_logical3A_215 = arith.constant 16 : i32
        %shift_right_logical3A_216 = vector.broadcast %shift_right_logical3A_215 : i32 to vector<16xi32>
        %shift_right_logical3A_217 = arith.shrui %xor3A_210, %shift_right_logical3A_216 : vector<16xi32>
        %or3A_218 = arith.ori %shift_left3A_214, %shift_right_logical3A_217 : vector<16xi32>
        %xor3A_219 = arith.xori %add3A_211, %or3A_218 : vector<16xi32>
        %add3A_220 = arith.addi %add3A_211, %xor3A_219 : vector<16xi32>
        %shift_left3A_221 = arith.constant 24 : i32
        %shift_left3A_222 = vector.broadcast %shift_left3A_221 : i32 to vector<16xi32>
        %shift_left3A_223 = arith.shli %xor3A_219, %shift_left3A_222 : vector<16xi32>
        %shift_right_logical3A_224 = arith.constant 8 : i32
        %shift_right_logical3A_225 = vector.broadcast %shift_right_logical3A_224 : i32 to vector<16xi32>
        %shift_right_logical3A_226 = arith.shrui %xor3A_219, %shift_right_logical3A_225 : vector<16xi32>
        %or3A_227 = arith.ori %shift_left3A_223, %shift_right_logical3A_226 : vector<16xi32>
        %xor3A_228 = arith.xori %add3A_220, %or3A_227 : vector<16xi32>
        %add3A_229 = arith.constant 42 : i32
        %add3A_230 = vector.broadcast %add3A_229 : i32 to vector<16xi32>
        %add3A_231 = arith.addi %add3A_220, %add3A_230 : vector<16xi32>
        %add3A_232 = arith.constant 466689008 : i32
        %add3A_233 = vector.broadcast %add3A_232 : i32 to vector<16xi32>
        %add3A_234 = arith.addi %xor3A_228, %add3A_233 : vector<16xi32>
        %add3A_235 = arith.constant 4 : i32
        %add3A_236 = vector.broadcast %add3A_235 : i32 to vector<16xi32>
        %add3A_237 = arith.addi %add3A_234, %add3A_236 : vector<16xi32>
        %add3A_238 = arith.addi %add3A_231, %add3A_237 : vector<16xi32>
        %shift_left3A_239 = arith.constant 13 : i32
        %shift_left3A_240 = vector.broadcast %shift_left3A_239 : i32 to vector<16xi32>
        %shift_left3A_241 = arith.shli %add3A_237, %shift_left3A_240 : vector<16xi32>
        %shift_right_logical3A_242 = arith.constant 19 : i32
        %shift_right_logical3A_243 = vector.broadcast %shift_right_logical3A_242 : i32 to vector<16xi32>
        %shift_right_logical3A_244 = arith.shrui %add3A_237, %shift_right_logical3A_243 : vector<16xi32>
        %or3A_245 = arith.ori %shift_left3A_241, %shift_right_logical3A_244 : vector<16xi32>
        %xor3A_246 = arith.xori %add3A_238, %or3A_245 : vector<16xi32>
        %add3A_247 = arith.addi %add3A_238, %xor3A_246 : vector<16xi32>
        %shift_left3A_248 = arith.constant 15 : i32
        %shift_left3A_249 = vector.broadcast %shift_left3A_248 : i32 to vector<16xi32>
        %shift_left3A_250 = arith.shli %xor3A_246, %shift_left3A_249 : vector<16xi32>
        %shift_right_logical3A_251 = arith.constant 17 : i32
        %shift_right_logical3A_252 = vector.broadcast %shift_right_logical3A_251 : i32 to vector<16xi32>
        %shift_right_logical3A_253 = arith.shrui %xor3A_246, %shift_right_logical3A_252 : vector<16xi32>
        %or3A_254 = arith.ori %shift_left3A_250, %shift_right_logical3A_253 : vector<16xi32>
        %xor3A_255 = arith.xori %add3A_247, %or3A_254 : vector<16xi32>
        %add3A_256 = arith.addi %add3A_247, %xor3A_255 : vector<16xi32>
        %shift_left3A_257 = arith.constant 26 : i32
        %shift_left3A_258 = vector.broadcast %shift_left3A_257 : i32 to vector<16xi32>
        %shift_left3A_259 = arith.shli %xor3A_255, %shift_left3A_258 : vector<16xi32>
        %shift_right_logical3A_260 = arith.constant 6 : i32
        %shift_right_logical3A_261 = vector.broadcast %shift_right_logical3A_260 : i32 to vector<16xi32>
        %shift_right_logical3A_262 = arith.shrui %xor3A_255, %shift_right_logical3A_261 : vector<16xi32>
        %or3A_263 = arith.ori %shift_left3A_259, %shift_right_logical3A_262 : vector<16xi32>
        %xor3A_264 = arith.xori %add3A_256, %or3A_263 : vector<16xi32>
        %add3A_265 = arith.addi %add3A_256, %xor3A_264 : vector<16xi32>
        %shift_left3A_266 = arith.constant 6 : i32
        %shift_left3A_267 = vector.broadcast %shift_left3A_266 : i32 to vector<16xi32>
        %shift_left3A_268 = arith.shli %xor3A_264, %shift_left3A_267 : vector<16xi32>
        %shift_right_logical3A_269 = arith.constant 26 : i32
        %shift_right_logical3A_270 = vector.broadcast %shift_right_logical3A_269 : i32 to vector<16xi32>
        %shift_right_logical3A_271 = arith.shrui %xor3A_264, %shift_right_logical3A_270 : vector<16xi32>
        %or3A_272 = arith.ori %shift_left3A_268, %shift_right_logical3A_271 : vector<16xi32>
        %xor3A_273 = arith.xori %add3A_265, %or3A_272 : vector<16xi32>
        %add3A_274 = arith.constant 466689008 : i32
        %add3A_275 = vector.broadcast %add3A_274 : i32 to vector<16xi32>
        %add3A_276 = arith.addi %add3A_265, %add3A_275 : vector<16xi32>
        %add3A_277 = arith.constant 0 : i32
        %add3A_278 = vector.broadcast %add3A_277 : i32 to vector<16xi32>
        %add3A_279 = arith.addi %xor3A_273, %add3A_278 : vector<16xi32>
        %add3A_280 = arith.constant 5 : i32
        %add3A_281 = vector.broadcast %add3A_280 : i32 to vector<16xi32>
        %add3A_282 = arith.addi %add3A_279, %add3A_281 : vector<16xi32>
        %xor3A_283 = arith.xori %add3A_276, %add3A_282 : vector<16xi32>
        %shift_right_logical3A_284 = arith.constant 9 : i32
        %shift_right_logical3A_285 = vector.broadcast %shift_right_logical3A_284 : i32 to vector<16xi32>
        %shift_right_logical3A_286 = arith.shrui %xor3A_283, %shift_right_logical3A_285 : vector<16xi32>
        %or3A_287 = arith.constant 1065353216 : i32
        %or3A_288 = vector.broadcast %or3A_287 : i32 to vector<16xi32>
        %or3A_289 = arith.ori %shift_right_logical3A_286, %or3A_288 : vector<16xi32>
        %bitcast_convert_type3A = tpu.bitcast %or3A_289 : vector<16xi32> -> vector<16xf32>
        %sub3A = arith.constant 1.000000e+00 : f32
        %sub3A_290 = vector.broadcast %sub3A : f32 to vector<16xf32>
        %sub3A_291 = arith.subf %bitcast_convert_type3A, %sub3A_290 : vector<16xf32>
        %sub3A_292 = arith.constant 0.99999988 : f32
        %sub3A_293 = arith.constant 1.000000e-07 : f32
        %sub3A_294 = arith.subf %sub3A_292, %sub3A_293 : f32
        %mul3A_295 = vector.broadcast %sub3A_294 : f32 to vector<16xf32>
        %mul3A_296 = arith.mulf %sub3A_291, %mul3A_295 : vector<16xf32>
        %add3A_297 = arith.constant 1.000000e-07 : f32
        %add3A_298 = vector.broadcast %add3A_297 : f32 to vector<16xf32>
        %add3A_299 = arith.addf %mul3A_296, %add3A_298 : vector<16xf32>
        %max3A = arith.constant 1.000000e-07 : f32
        %max3A_300 = vector.broadcast %max3A : f32 to vector<16xf32>
        %max3A_301 = arith.maximumf %max3A_300, %add3A_299 : vector<16xf32>
        %bitcast_convert_type3A_302 = tpu.bitcast %max3A_301 : vector<16xf32> -> vector<16xi32>
        %shift_right_arithmetic3A = arith.constant 23 : i32
        %shift_right_arithmetic3A_303 = vector.broadcast %shift_right_arithmetic3A : i32 to vector<16xi32>
        %shift_right_arithmetic3A_304 = arith.shrsi %bitcast_convert_type3A_302, %shift_right_arithmetic3A_303 : vector<16xi32>
        %sub3A_305 = arith.constant 127 : i32
        %sub3A_306 = vector.broadcast %sub3A_305 : i32 to vector<16xi32>
        %sub3A_307 = arith.subi %shift_right_arithmetic3A_304, %sub3A_306 : vector<16xi32>
        %and3A = arith.constant 8388607 : i32
        %and3A_308 = vector.broadcast %and3A : i32 to vector<16xi32>
        %and3A_309 = arith.andi %bitcast_convert_type3A_302, %and3A_308 : vector<16xi32>
        %or3A_310 = arith.constant 1065353216 : i32
        %or3A_311 = vector.broadcast %or3A_310 : i32 to vector<16xi32>
        %or3A_312 = arith.ori %and3A_309, %or3A_311 : vector<16xi32>
        %bitcast_convert_type3A_313 = tpu.bitcast %or3A_312 : vector<16xi32> -> vector<16xf32>
        %gt3A_314 = arith.constant 1.41421354 : f32
        %gt3A_315 = vector.broadcast %gt3A_314 : f32 to vector<16xf32>
        %gt3A_316 = arith.cmpf ogt, %bitcast_convert_type3A_313, %gt3A_315 : vector<16xf32>
        %mul3A_317 = arith.constant 5.000000e-01 : f32
        %mul3A_318 = vector.broadcast %mul3A_317 : f32 to vector<16xf32>
        %mul3A_319 = arith.mulf %bitcast_convert_type3A_313, %mul3A_318 : vector<16xf32>
        %select_n3A_320 = arith.select %gt3A_316, %mul3A_319, %bitcast_convert_type3A_313 : vector<16xi1>, vector<16xf32>
        %jit3A = arith.constant 1 : i32
        %jit3A_321 = arith.constant 0 : i32
        %broadcast_in_dim3A_322 = vector.broadcast %jit3A : i32 to vector<16xi32>
        %broadcast_in_dim3A_323 = vector.broadcast %jit3A_321 : i32 to vector<16xi32>
        %select_n3A_324 = arith.select %gt3A_316, %broadcast_in_dim3A_322, %broadcast_in_dim3A_323 : vector<16xi1>, vector<16xi32>
        %add3A_325 = arith.addi %sub3A_307, %select_n3A_324 : vector<16xi32>
        %convert_element_type3A = arith.sitofp %add3A_325 : vector<16xi32> to vector<16xf32>
        %sub3A_326 = arith.constant 1.000000e+00 : f32
        %sub3A_327 = vector.broadcast %sub3A_326 : f32 to vector<16xf32>
        %sub3A_328 = arith.subf %select_n3A_320, %sub3A_327 : vector<16xf32>
        %add3A_329 = arith.constant 1.000000e+00 : f32
        %add3A_330 = vector.broadcast %add3A_329 : f32 to vector<16xf32>
        %add3A_331 = arith.addf %select_n3A_320, %add3A_330 : vector<16xf32>
        %div3A = arith.divf %sub3A_328, %add3A_331 : vector<16xf32>
        %mul3A_332 = arith.mulf %div3A, %div3A : vector<16xf32>
        %mul3A_333 = arith.constant 0.142857149 : f32
        %mul3A_334 = vector.broadcast %mul3A_333 : f32 to vector<16xf32>
        %mul3A_335 = arith.mulf %mul3A_332, %mul3A_334 : vector<16xf32>
        %add3A_336 = arith.constant 2.000000e-01 : f32
        %add3A_337 = vector.broadcast %add3A_336 : f32 to vector<16xf32>
        %add3A_338 = arith.addf %add3A_337, %mul3A_335 : vector<16xf32>
        %mul3A_339 = arith.mulf %mul3A_332, %add3A_338 : vector<16xf32>
        %add3A_340 = arith.constant 0.333333343 : f32
        %add3A_341 = vector.broadcast %add3A_340 : f32 to vector<16xf32>
        %add3A_342 = arith.addf %add3A_341, %mul3A_339 : vector<16xf32>
        %mul3A_343 = arith.mulf %mul3A_332, %add3A_342 : vector<16xf32>
        %mul3A_344 = arith.mulf %div3A, %mul3A_343 : vector<16xf32>
        %add3A_345 = arith.addf %div3A, %mul3A_344 : vector<16xf32>
        %mul3A_346 = arith.constant 2.000000e+00 : f32
        %mul3A_347 = vector.broadcast %mul3A_346 : f32 to vector<16xf32>
        %mul3A_348 = arith.mulf %mul3A_347, %add3A_345 : vector<16xf32>
        %mul3A_349 = arith.constant 0.693145751 : f32
        %mul3A_350 = vector.broadcast %mul3A_349 : f32 to vector<16xf32>
        %mul3A_351 = arith.mulf %convert_element_type3A, %mul3A_350 : vector<16xf32>
        %mul3A_352 = arith.constant 1.42860677E-6 : f32
        %mul3A_353 = vector.broadcast %mul3A_352 : f32 to vector<16xf32>
        %mul3A_354 = arith.mulf %convert_element_type3A, %mul3A_353 : vector<16xf32>
        %add3A_355 = arith.addf %mul3A_354, %mul3A_348 : vector<16xf32>
        %add3A_356 = arith.addf %mul3A_351, %add3A_355 : vector<16xf32>
        %neg3A = arith.constant 0.000000e+00 : f32
        %neg3A_357 = vector.broadcast %neg3A : f32 to vector<16xf32>
        %neg3A_358 = arith.subf %neg3A_357, %add3A_356 : vector<16xf32>
        %bitcast_convert_type3A_359 = tpu.bitcast %neg3A_358 : vector<16xf32> -> vector<16xi32>
        %shift_right_arithmetic3A_360 = arith.constant 23 : i32
        %shift_right_arithmetic3A_361 = vector.broadcast %shift_right_arithmetic3A_360 : i32 to vector<16xi32>
        %shift_right_arithmetic3A_362 = arith.shrsi %bitcast_convert_type3A_359, %shift_right_arithmetic3A_361 : vector<16xi32>
        %sub3A_363 = arith.constant 127 : i32
        %sub3A_364 = vector.broadcast %sub3A_363 : i32 to vector<16xi32>
        %sub3A_365 = arith.subi %shift_right_arithmetic3A_362, %sub3A_364 : vector<16xi32>
        %and3A_366 = arith.constant 8388607 : i32
        %and3A_367 = vector.broadcast %and3A_366 : i32 to vector<16xi32>
        %and3A_368 = arith.andi %bitcast_convert_type3A_359, %and3A_367 : vector<16xi32>
        %or3A_369 = arith.constant 1065353216 : i32
        %or3A_370 = vector.broadcast %or3A_369 : i32 to vector<16xi32>
        %or3A_371 = arith.ori %and3A_368, %or3A_370 : vector<16xi32>
        %bitcast_convert_type3A_372 = tpu.bitcast %or3A_371 : vector<16xi32> -> vector<16xf32>
        %gt3A_373 = arith.constant 1.41421354 : f32
        %gt3A_374 = vector.broadcast %gt3A_373 : f32 to vector<16xf32>
        %gt3A_375 = arith.cmpf ogt, %bitcast_convert_type3A_372, %gt3A_374 : vector<16xf32>
        %mul3A_376 = arith.constant 5.000000e-01 : f32
        %mul3A_377 = vector.broadcast %mul3A_376 : f32 to vector<16xf32>
        %mul3A_378 = arith.mulf %bitcast_convert_type3A_372, %mul3A_377 : vector<16xf32>
        %select_n3A_379 = arith.select %gt3A_375, %mul3A_378, %bitcast_convert_type3A_372 : vector<16xi1>, vector<16xf32>
        %jit3A_380 = arith.constant 1 : i32
        %jit3A_381 = arith.constant 0 : i32
        %broadcast_in_dim3A_382 = vector.broadcast %jit3A_380 : i32 to vector<16xi32>
        %broadcast_in_dim3A_383 = vector.broadcast %jit3A_381 : i32 to vector<16xi32>
        %select_n3A_384 = arith.select %gt3A_375, %broadcast_in_dim3A_382, %broadcast_in_dim3A_383 : vector<16xi1>, vector<16xi32>
        %add3A_385 = arith.addi %sub3A_365, %select_n3A_384 : vector<16xi32>
        %convert_element_type3A_386 = arith.sitofp %add3A_385 : vector<16xi32> to vector<16xf32>
        %sub3A_387 = arith.constant 1.000000e+00 : f32
        %sub3A_388 = vector.broadcast %sub3A_387 : f32 to vector<16xf32>
        %sub3A_389 = arith.subf %select_n3A_379, %sub3A_388 : vector<16xf32>
        %add3A_390 = arith.constant 1.000000e+00 : f32
        %add3A_391 = vector.broadcast %add3A_390 : f32 to vector<16xf32>
        %add3A_392 = arith.addf %select_n3A_379, %add3A_391 : vector<16xf32>
        %div3A_393 = arith.divf %sub3A_389, %add3A_392 : vector<16xf32>
        %mul3A_394 = arith.mulf %div3A_393, %div3A_393 : vector<16xf32>
        %mul3A_395 = arith.constant 0.142857149 : f32
        %mul3A_396 = vector.broadcast %mul3A_395 : f32 to vector<16xf32>
        %mul3A_397 = arith.mulf %mul3A_394, %mul3A_396 : vector<16xf32>
        %add3A_398 = arith.constant 2.000000e-01 : f32
        %add3A_399 = vector.broadcast %add3A_398 : f32 to vector<16xf32>
        %add3A_400 = arith.addf %add3A_399, %mul3A_397 : vector<16xf32>
        %mul3A_401 = arith.mulf %mul3A_394, %add3A_400 : vector<16xf32>
        %add3A_402 = arith.constant 0.333333343 : f32
        %add3A_403 = vector.broadcast %add3A_402 : f32 to vector<16xf32>
        %add3A_404 = arith.addf %add3A_403, %mul3A_401 : vector<16xf32>
        %mul3A_405 = arith.mulf %mul3A_394, %add3A_404 : vector<16xf32>
        %mul3A_406 = arith.mulf %div3A_393, %mul3A_405 : vector<16xf32>
        %add3A_407 = arith.addf %div3A_393, %mul3A_406 : vector<16xf32>
        %mul3A_408 = arith.constant 2.000000e+00 : f32
        %mul3A_409 = vector.broadcast %mul3A_408 : f32 to vector<16xf32>
        %mul3A_410 = arith.mulf %mul3A_409, %add3A_407 : vector<16xf32>
        %mul3A_411 = arith.constant 0.693145751 : f32
        %mul3A_412 = vector.broadcast %mul3A_411 : f32 to vector<16xf32>
        %mul3A_413 = arith.mulf %convert_element_type3A_386, %mul3A_412 : vector<16xf32>
        %mul3A_414 = arith.constant 1.42860677E-6 : f32
        %mul3A_415 = vector.broadcast %mul3A_414 : f32 to vector<16xf32>
        %mul3A_416 = arith.mulf %convert_element_type3A_386, %mul3A_415 : vector<16xf32>
        %add3A_417 = arith.addf %mul3A_416, %mul3A_410 : vector<16xf32>
        %add3A_418 = arith.addf %mul3A_413, %add3A_417 : vector<16xf32>
        %neg3A_419 = arith.constant 0.000000e+00 : f32
        %neg3A_420 = vector.broadcast %neg3A_419 : f32 to vector<16xf32>
        %neg3A_421 = arith.subf %neg3A_420, %add3A_418 : vector<16xf32>
        %add3A_422 = arith.addf %get3A_51, %neg3A_421 : vector<16xf32>
        %mul3A_423 = arith.constant 32 : i32
        %mul3A_424 = arith.muli %scan3A_35, %mul3A_423 : i32
        %add3A_425 = arith.constant 16 : i32
        %add3A_426 = arith.addi %mul3A_424, %add3A_425 : i32
        %get3A_427 = arith.index_cast %add3A_426 : i32 to index
        %get3A_428 = tpu.vector_load %arg5[%get3A_427] {strides = array<i32>} : memref<4096xf32, #tpu.memory_space<vmem>>, vector<16xf32>,
        %get3A_429 = vector.shape_cast %get3A_428 : vector<16xf32> to vector<16xf32>
        %add3A_430 = vector.broadcast %mul3A_2 : i32 to vector<16xi32>
        %add3A_431 = arith.addi %add3A_430, %add3A_47 : vector<16xi32>
        %broadcast_in_dim3A_432 = arith.constant 0 : i32
        %broadcast_in_dim3A_433 = vector.broadcast %broadcast_in_dim3A_432 : i32 to vector<16xi32>
        %add3A_434 = arith.constant 0 : i32
        %add3A_435 = vector.broadcast %add3A_434 : i32 to vector<16xi32>
        %add3A_436 = arith.addi %broadcast_in_dim3A_433, %add3A_435 : vector<16xi32>
        %add3A_437 = arith.constant 42 : i32
        %add3A_438 = vector.broadcast %add3A_437 : i32 to vector<16xi32>
        %add3A_439 = arith.addi %add3A_431, %add3A_438 : vector<16xi32>
        %add3A_440 = arith.addi %add3A_436, %add3A_439 : vector<16xi32>
        %shift_left3A_441 = arith.constant 13 : i32
        %shift_left3A_442 = vector.broadcast %shift_left3A_441 : i32 to vector<16xi32>
        %shift_left3A_443 = arith.shli %add3A_439, %shift_left3A_442 : vector<16xi32>
        %shift_right_logical3A_444 = arith.constant 19 : i32
        %shift_right_logical3A_445 = vector.broadcast %shift_right_logical3A_444 : i32 to vector<16xi32>
        %shift_right_logical3A_446 = arith.shrui %add3A_439, %shift_right_logical3A_445 : vector<16xi32>
        %or3A_447 = arith.ori %shift_left3A_443, %shift_right_logical3A_446 : vector<16xi32>
        %xor3A_448 = arith.xori %add3A_440, %or3A_447 : vector<16xi32>
        %add3A_449 = arith.addi %add3A_440, %xor3A_448 : vector<16xi32>
        %shift_left3A_450 = arith.constant 15 : i32
        %shift_left3A_451 = vector.broadcast %shift_left3A_450 : i32 to vector<16xi32>
        %shift_left3A_452 = arith.shli %xor3A_448, %shift_left3A_451 : vector<16xi32>
        %shift_right_logical3A_453 = arith.constant 17 : i32
        %shift_right_logical3A_454 = vector.broadcast %shift_right_logical3A_453 : i32 to vector<16xi32>
        %shift_right_logical3A_455 = arith.shrui %xor3A_448, %shift_right_logical3A_454 : vector<16xi32>
        %or3A_456 = arith.ori %shift_left3A_452, %shift_right_logical3A_455 : vector<16xi32>
        %xor3A_457 = arith.xori %add3A_449, %or3A_456 : vector<16xi32>
        %add3A_458 = arith.addi %add3A_449, %xor3A_457 : vector<16xi32>
        %shift_left3A_459 = arith.constant 26 : i32
        %shift_left3A_460 = vector.broadcast %shift_left3A_459 : i32 to vector<16xi32>
        %shift_left3A_461 = arith.shli %xor3A_457, %shift_left3A_460 : vector<16xi32>
        %shift_right_logical3A_462 = arith.constant 6 : i32
        %shift_right_logical3A_463 = vector.broadcast %shift_right_logical3A_462 : i32 to vector<16xi32>
        %shift_right_logical3A_464 = arith.shrui %xor3A_457, %shift_right_logical3A_463 : vector<16xi32>
        %or3A_465 = arith.ori %shift_left3A_461, %shift_right_logical3A_464 : vector<16xi32>
        %xor3A_466 = arith.xori %add3A_458, %or3A_465 : vector<16xi32>
        %add3A_467 = arith.addi %add3A_458, %xor3A_466 : vector<16xi32>
        %shift_left3A_468 = arith.constant 6 : i32
        %shift_left3A_469 = vector.broadcast %shift_left3A_468 : i32 to vector<16xi32>
        %shift_left3A_470 = arith.shli %xor3A_466, %shift_left3A_469 : vector<16xi32>
        %shift_right_logical3A_471 = arith.constant 26 : i32
        %shift_right_logical3A_472 = vector.broadcast %shift_right_logical3A_471 : i32 to vector<16xi32>
        %shift_right_logical3A_473 = arith.shrui %xor3A_466, %shift_right_logical3A_472 : vector<16xi32>
        %or3A_474 = arith.ori %shift_left3A_470, %shift_right_logical3A_473 : vector<16xi32>
        %xor3A_475 = arith.xori %add3A_467, %or3A_474 : vector<16xi32>
        %add3A_476 = arith.constant 42 : i32
        %add3A_477 = vector.broadcast %add3A_476 : i32 to vector<16xi32>
        %add3A_478 = arith.addi %add3A_467, %add3A_477 : vector<16xi32>
        %add3A_479 = arith.constant 466689008 : i32
        %add3A_480 = vector.broadcast %add3A_479 : i32 to vector<16xi32>
        %add3A_481 = arith.addi %xor3A_475, %add3A_480 : vector<16xi32>
        %add3A_482 = arith.constant 1 : i32
        %add3A_483 = vector.broadcast %add3A_482 : i32 to vector<16xi32>
        %add3A_484 = arith.addi %add3A_481, %add3A_483 : vector<16xi32>
        %add3A_485 = arith.addi %add3A_478, %add3A_484 : vector<16xi32>
        %shift_left3A_486 = arith.constant 17 : i32
        %shift_left3A_487 = vector.broadcast %shift_left3A_486 : i32 to vector<16xi32>
        %shift_left3A_488 = arith.shli %add3A_484, %shift_left3A_487 : vector<16xi32>
        %shift_right_logical3A_489 = arith.constant 15 : i32
        %shift_right_logical3A_490 = vector.broadcast %shift_right_logical3A_489 : i32 to vector<16xi32>
        %shift_right_logical3A_491 = arith.shrui %add3A_484, %shift_right_logical3A_490 : vector<16xi32>
        %or3A_492 = arith.ori %shift_left3A_488, %shift_right_logical3A_491 : vector<16xi32>
        %xor3A_493 = arith.xori %add3A_485, %or3A_492 : vector<16xi32>
        %add3A_494 = arith.addi %add3A_485, %xor3A_493 : vector<16xi32>
        %shift_left3A_495 = arith.constant 29 : i32
        %shift_left3A_496 = vector.broadcast %shift_left3A_495 : i32 to vector<16xi32>
        %shift_left3A_497 = arith.shli %xor3A_493, %shift_left3A_496 : vector<16xi32>
        %shift_right_logical3A_498 = arith.constant 3 : i32
        %shift_right_logical3A_499 = vector.broadcast %shift_right_logical3A_498 : i32 to vector<16xi32>
        %shift_right_logical3A_500 = arith.shrui %xor3A_493, %shift_right_logical3A_499 : vector<16xi32>
        %or3A_501 = arith.ori %shift_left3A_497, %shift_right_logical3A_500 : vector<16xi32>
        %xor3A_502 = arith.xori %add3A_494, %or3A_501 : vector<16xi32>
        %add3A_503 = arith.addi %add3A_494, %xor3A_502 : vector<16xi32>
        %shift_left3A_504 = arith.constant 16 : i32
        %shift_left3A_505 = vector.broadcast %shift_left3A_504 : i32 to vector<16xi32>
        %shift_left3A_506 = arith.shli %xor3A_502, %shift_left3A_505 : vector<16xi32>
        %shift_right_logical3A_507 = arith.constant 16 : i32
        %shift_right_logical3A_508 = vector.broadcast %shift_right_logical3A_507 : i32 to vector<16xi32>
        %shift_right_logical3A_509 = arith.shrui %xor3A_502, %shift_right_logical3A_508 : vector<16xi32>
        %or3A_510 = arith.ori %shift_left3A_506, %shift_right_logical3A_509 : vector<16xi32>
        %xor3A_511 = arith.xori %add3A_503, %or3A_510 : vector<16xi32>
        %add3A_512 = arith.addi %add3A_503, %xor3A_511 : vector<16xi32>
        %shift_left3A_513 = arith.constant 24 : i32
        %shift_left3A_514 = vector.broadcast %shift_left3A_513 : i32 to vector<16xi32>
        %shift_left3A_515 = arith.shli %xor3A_511, %shift_left3A_514 : vector<16xi32>
        %shift_right_logical3A_516 = arith.constant 8 : i32
        %shift_right_logical3A_517 = vector.broadcast %shift_right_logical3A_516 : i32 to vector<16xi32>
        %shift_right_logical3A_518 = arith.shrui %xor3A_511, %shift_right_logical3A_517 : vector<16xi32>
        %or3A_519 = arith.ori %shift_left3A_515, %shift_right_logical3A_518 : vector<16xi32>
        %xor3A_520 = arith.xori %add3A_512, %or3A_519 : vector<16xi32>
        %add3A_521 = arith.constant 466689008 : i32
        %add3A_522 = vector.broadcast %add3A_521 : i32 to vector<16xi32>
        %add3A_523 = arith.addi %add3A_512, %add3A_522 : vector<16xi32>
        %add3A_524 = arith.constant 0 : i32
        %add3A_525 = vector.broadcast %add3A_524 : i32 to vector<16xi32>
        %add3A_526 = arith.addi %xor3A_520, %add3A_525 : vector<16xi32>
        %add3A_527 = arith.constant 2 : i32
        %add3A_528 = vector.broadcast %add3A_527 : i32 to vector<16xi32>
        %add3A_529 = arith.addi %add3A_526, %add3A_528 : vector<16xi32>
        %add3A_530 = arith.addi %add3A_523, %add3A_529 : vector<16xi32>
        %shift_left3A_531 = arith.constant 13 : i32
        %shift_left3A_532 = vector.broadcast %shift_left3A_531 : i32 to vector<16xi32>
        %shift_left3A_533 = arith.shli %add3A_529, %shift_left3A_532 : vector<16xi32>
        %shift_right_logical3A_534 = arith.constant 19 : i32
        %shift_right_logical3A_535 = vector.broadcast %shift_right_logical3A_534 : i32 to vector<16xi32>
        %shift_right_logical3A_536 = arith.shrui %add3A_529, %shift_right_logical3A_535 : vector<16xi32>
        %or3A_537 = arith.ori %shift_left3A_533, %shift_right_logical3A_536 : vector<16xi32>
        %xor3A_538 = arith.xori %add3A_530, %or3A_537 : vector<16xi32>
        %add3A_539 = arith.addi %add3A_530, %xor3A_538 : vector<16xi32>
        %shift_left3A_540 = arith.constant 15 : i32
        %shift_left3A_541 = vector.broadcast %shift_left3A_540 : i32 to vector<16xi32>
        %shift_left3A_542 = arith.shli %xor3A_538, %shift_left3A_541 : vector<16xi32>
        %shift_right_logical3A_543 = arith.constant 17 : i32
        %shift_right_logical3A_544 = vector.broadcast %shift_right_logical3A_543 : i32 to vector<16xi32>
        %shift_right_logical3A_545 = arith.shrui %xor3A_538, %shift_right_logical3A_544 : vector<16xi32>
        %or3A_546 = arith.ori %shift_left3A_542, %shift_right_logical3A_545 : vector<16xi32>
        %xor3A_547 = arith.xori %add3A_539, %or3A_546 : vector<16xi32>
        %add3A_548 = arith.addi %add3A_539, %xor3A_547 : vector<16xi32>
        %shift_left3A_549 = arith.constant 26 : i32
        %shift_left3A_550 = vector.broadcast %shift_left3A_549 : i32 to vector<16xi32>
        %shift_left3A_551 = arith.shli %xor3A_547, %shift_left3A_550 : vector<16xi32>
        %shift_right_logical3A_552 = arith.constant 6 : i32
        %shift_right_logical3A_553 = vector.broadcast %shift_right_logical3A_552 : i32 to vector<16xi32>
        %shift_right_logical3A_554 = arith.shrui %xor3A_547, %shift_right_logical3A_553 : vector<16xi32>
        %or3A_555 = arith.ori %shift_left3A_551, %shift_right_logical3A_554 : vector<16xi32>
        %xor3A_556 = arith.xori %add3A_548, %or3A_555 : vector<16xi32>
        %add3A_557 = arith.addi %add3A_548, %xor3A_556 : vector<16xi32>
        %shift_left3A_558 = arith.constant 6 : i32
        %shift_left3A_559 = vector.broadcast %shift_left3A_558 : i32 to vector<16xi32>
        %shift_left3A_560 = arith.shli %xor3A_556, %shift_left3A_559 : vector<16xi32>
        %shift_right_logical3A_561 = arith.constant 26 : i32
        %shift_right_logical3A_562 = vector.broadcast %shift_right_logical3A_561 : i32 to vector<16xi32>
        %shift_right_logical3A_563 = arith.shrui %xor3A_556, %shift_right_logical3A_562 : vector<16xi32>
        %or3A_564 = arith.ori %shift_left3A_560, %shift_right_logical3A_563 : vector<16xi32>
        %xor3A_565 = arith.xori %add3A_557, %or3A_564 : vector<16xi32>
        %add3A_566 = arith.constant 0 : i32
        %add3A_567 = vector.broadcast %add3A_566 : i32 to vector<16xi32>
        %add3A_568 = arith.addi %add3A_557, %add3A_567 : vector<16xi32>
        %add3A_569 = arith.constant 42 : i32
        %add3A_570 = vector.broadcast %add3A_569 : i32 to vector<16xi32>
        %add3A_571 = arith.addi %xor3A_565, %add3A_570 : vector<16xi32>
        %add3A_572 = arith.constant 3 : i32
        %add3A_573 = vector.broadcast %add3A_572 : i32 to vector<16xi32>
        %add3A_574 = arith.addi %add3A_571, %add3A_573 : vector<16xi32>
        %add3A_575 = arith.addi %add3A_568, %add3A_574 : vector<16xi32>
        %shift_left3A_576 = arith.constant 17 : i32
        %shift_left3A_577 = vector.broadcast %shift_left3A_576 : i32 to vector<16xi32>
        %shift_left3A_578 = arith.shli %add3A_574, %shift_left3A_577 : vector<16xi32>
        %shift_right_logical3A_579 = arith.constant 15 : i32
        %shift_right_logical3A_580 = vector.broadcast %shift_right_logical3A_579 : i32 to vector<16xi32>
        %shift_right_logical3A_581 = arith.shrui %add3A_574, %shift_right_logical3A_580 : vector<16xi32>
        %or3A_582 = arith.ori %shift_left3A_578, %shift_right_logical3A_581 : vector<16xi32>
        %xor3A_583 = arith.xori %add3A_575, %or3A_582 : vector<16xi32>
        %add3A_584 = arith.addi %add3A_575, %xor3A_583 : vector<16xi32>
        %shift_left3A_585 = arith.constant 29 : i32
        %shift_left3A_586 = vector.broadcast %shift_left3A_585 : i32 to vector<16xi32>
        %shift_left3A_587 = arith.shli %xor3A_583, %shift_left3A_586 : vector<16xi32>
        %shift_right_logical3A_588 = arith.constant 3 : i32
        %shift_right_logical3A_589 = vector.broadcast %shift_right_logical3A_588 : i32 to vector<16xi32>
        %shift_right_logical3A_590 = arith.shrui %xor3A_583, %shift_right_logical3A_589 : vector<16xi32>
        %or3A_591 = arith.ori %shift_left3A_587, %shift_right_logical3A_590 : vector<16xi32>
        %xor3A_592 = arith.xori %add3A_584, %or3A_591 : vector<16xi32>
        %add3A_593 = arith.addi %add3A_584, %xor3A_592 : vector<16xi32>
        %shift_left3A_594 = arith.constant 16 : i32
        %shift_left3A_595 = vector.broadcast %shift_left3A_594 : i32 to vector<16xi32>
        %shift_left3A_596 = arith.shli %xor3A_592, %shift_left3A_595 : vector<16xi32>
        %shift_right_logical3A_597 = arith.constant 16 : i32
        %shift_right_logical3A_598 = vector.broadcast %shift_right_logical3A_597 : i32 to vector<16xi32>
        %shift_right_logical3A_599 = arith.shrui %xor3A_592, %shift_right_logical3A_598 : vector<16xi32>
        %or3A_600 = arith.ori %shift_left3A_596, %shift_right_logical3A_599 : vector<16xi32>
        %xor3A_601 = arith.xori %add3A_593, %or3A_600 : vector<16xi32>
        %add3A_602 = arith.addi %add3A_593, %xor3A_601 : vector<16xi32>
        %shift_left3A_603 = arith.constant 24 : i32
        %shift_left3A_604 = vector.broadcast %shift_left3A_603 : i32 to vector<16xi32>
        %shift_left3A_605 = arith.shli %xor3A_601, %shift_left3A_604 : vector<16xi32>
        %shift_right_logical3A_606 = arith.constant 8 : i32
        %shift_right_logical3A_607 = vector.broadcast %shift_right_logical3A_606 : i32 to vector<16xi32>
        %shift_right_logical3A_608 = arith.shrui %xor3A_601, %shift_right_logical3A_607 : vector<16xi32>
        %or3A_609 = arith.ori %shift_left3A_605, %shift_right_logical3A_608 : vector<16xi32>
        %xor3A_610 = arith.xori %add3A_602, %or3A_609 : vector<16xi32>
        %add3A_611 = arith.constant 42 : i32
        %add3A_612 = vector.broadcast %add3A_611 : i32 to vector<16xi32>
        %add3A_613 = arith.addi %add3A_602, %add3A_612 : vector<16xi32>
        %add3A_614 = arith.constant 466689008 : i32
        %add3A_615 = vector.broadcast %add3A_614 : i32 to vector<16xi32>
        %add3A_616 = arith.addi %xor3A_610, %add3A_615 : vector<16xi32>
        %add3A_617 = arith.constant 4 : i32
        %add3A_618 = vector.broadcast %add3A_617 : i32 to vector<16xi32>
        %add3A_619 = arith.addi %add3A_616, %add3A_618 : vector<16xi32>
        %add3A_620 = arith.addi %add3A_613, %add3A_619 : vector<16xi32>
        %shift_left3A_621 = arith.constant 13 : i32
        %shift_left3A_622 = vector.broadcast %shift_left3A_621 : i32 to vector<16xi32>
        %shift_left3A_623 = arith.shli %add3A_619, %shift_left3A_622 : vector<16xi32>
        %shift_right_logical3A_624 = arith.constant 19 : i32
        %shift_right_logical3A_625 = vector.broadcast %shift_right_logical3A_624 : i32 to vector<16xi32>
        %shift_right_logical3A_626 = arith.shrui %add3A_619, %shift_right_logical3A_625 : vector<16xi32>
        %or3A_627 = arith.ori %shift_left3A_623, %shift_right_logical3A_626 : vector<16xi32>
        %xor3A_628 = arith.xori %add3A_620, %or3A_627 : vector<16xi32>
        %add3A_629 = arith.addi %add3A_620, %xor3A_628 : vector<16xi32>
        %shift_left3A_630 = arith.constant 15 : i32
        %shift_left3A_631 = vector.broadcast %shift_left3A_630 : i32 to vector<16xi32>
        %shift_left3A_632 = arith.shli %xor3A_628, %shift_left3A_631 : vector<16xi32>
        %shift_right_logical3A_633 = arith.constant 17 : i32
        %shift_right_logical3A_634 = vector.broadcast %shift_right_logical3A_633 : i32 to vector<16xi32>
        %shift_right_logical3A_635 = arith.shrui %xor3A_628, %shift_right_logical3A_634 : vector<16xi32>
        %or3A_636 = arith.ori %shift_left3A_632, %shift_right_logical3A_635 : vector<16xi32>
        %xor3A_637 = arith.xori %add3A_629, %or3A_636 : vector<16xi32>
        %add3A_638 = arith.addi %add3A_629, %xor3A_637 : vector<16xi32>
        %shift_left3A_639 = arith.constant 26 : i32
        %shift_left3A_640 = vector.broadcast %shift_left3A_639 : i32 to vector<16xi32>
        %shift_left3A_641 = arith.shli %xor3A_637, %shift_left3A_640 : vector<16xi32>
        %shift_right_logical3A_642 = arith.constant 6 : i32
        %shift_right_logical3A_643 = vector.broadcast %shift_right_logical3A_642 : i32 to vector<16xi32>
        %shift_right_logical3A_644 = arith.shrui %xor3A_637, %shift_right_logical3A_643 : vector<16xi32>
        %or3A_645 = arith.ori %shift_left3A_641, %shift_right_logical3A_644 : vector<16xi32>
        %xor3A_646 = arith.xori %add3A_638, %or3A_645 : vector<16xi32>
        %add3A_647 = arith.addi %add3A_638, %xor3A_646 : vector<16xi32>
        %shift_left3A_648 = arith.constant 6 : i32
        %shift_left3A_649 = vector.broadcast %shift_left3A_648 : i32 to vector<16xi32>
        %shift_left3A_650 = arith.shli %xor3A_646, %shift_left3A_649 : vector<16xi32>
        %shift_right_logical3A_651 = arith.constant 26 : i32
        %shift_right_logical3A_652 = vector.broadcast %shift_right_logical3A_651 : i32 to vector<16xi32>
        %shift_right_logical3A_653 = arith.shrui %xor3A_646, %shift_right_logical3A_652 : vector<16xi32>
        %or3A_654 = arith.ori %shift_left3A_650, %shift_right_logical3A_653 : vector<16xi32>
        %xor3A_655 = arith.xori %add3A_647, %or3A_654 : vector<16xi32>
        %add3A_656 = arith.constant 466689008 : i32
        %add3A_657 = vector.broadcast %add3A_656 : i32 to vector<16xi32>
        %add3A_658 = arith.addi %add3A_647, %add3A_657 : vector<16xi32>
        %add3A_659 = arith.constant 0 : i32
        %add3A_660 = vector.broadcast %add3A_659 : i32 to vector<16xi32>
        %add3A_661 = arith.addi %xor3A_655, %add3A_660 : vector<16xi32>
        %add3A_662 = arith.constant 5 : i32
        %add3A_663 = vector.broadcast %add3A_662 : i32 to vector<16xi32>
        %add3A_664 = arith.addi %add3A_661, %add3A_663 : vector<16xi32>
        %xor3A_665 = arith.xori %add3A_658, %add3A_664 : vector<16xi32>
        %shift_right_logical3A_666 = arith.constant 9 : i32
        %shift_right_logical3A_667 = vector.broadcast %shift_right_logical3A_666 : i32 to vector<16xi32>
        %shift_right_logical3A_668 = arith.shrui %xor3A_665, %shift_right_logical3A_667 : vector<16xi32>
        %or3A_669 = arith.constant 1065353216 : i32
        %or3A_670 = vector.broadcast %or3A_669 : i32 to vector<16xi32>
        %or3A_671 = arith.ori %shift_right_logical3A_668, %or3A_670 : vector<16xi32>
        %bitcast_convert_type3A_672 = tpu.bitcast %or3A_671 : vector<16xi32> -> vector<16xf32>
        %sub3A_673 = arith.constant 1.000000e+00 : f32
        %sub3A_674 = vector.broadcast %sub3A_673 : f32 to vector<16xf32>
        %sub3A_675 = arith.subf %bitcast_convert_type3A_672, %sub3A_674 : vector<16xf32>
        %sub3A_676 = arith.constant 0.99999988 : f32
        %sub3A_677 = arith.constant 1.000000e-07 : f32
        %sub3A_678 = arith.subf %sub3A_676, %sub3A_677 : f32
        %mul3A_679 = vector.broadcast %sub3A_678 : f32 to vector<16xf32>
        %mul3A_680 = arith.mulf %sub3A_675, %mul3A_679 : vector<16xf32>
        %add3A_681 = arith.constant 1.000000e-07 : f32
        %add3A_682 = vector.broadcast %add3A_681 : f32 to vector<16xf32>
        %add3A_683 = arith.addf %mul3A_680, %add3A_682 : vector<16xf32>
        %max3A_684 = arith.constant 1.000000e-07 : f32
        %max3A_685 = vector.broadcast %max3A_684 : f32 to vector<16xf32>
        %max3A_686 = arith.maximumf %max3A_685, %add3A_683 : vector<16xf32>
        %bitcast_convert_type3A_687 = tpu.bitcast %max3A_686 : vector<16xf32> -> vector<16xi32>
        %shift_right_arithmetic3A_688 = arith.constant 23 : i32
        %shift_right_arithmetic3A_689 = vector.broadcast %shift_right_arithmetic3A_688 : i32 to vector<16xi32>
        %shift_right_arithmetic3A_690 = arith.shrsi %bitcast_convert_type3A_687, %shift_right_arithmetic3A_689 : vector<16xi32>
        %sub3A_691 = arith.constant 127 : i32
        %sub3A_692 = vector.broadcast %sub3A_691 : i32 to vector<16xi32>
        %sub3A_693 = arith.subi %shift_right_arithmetic3A_690, %sub3A_692 : vector<16xi32>
        %and3A_694 = arith.constant 8388607 : i32
        %and3A_695 = vector.broadcast %and3A_694 : i32 to vector<16xi32>
        %and3A_696 = arith.andi %bitcast_convert_type3A_687, %and3A_695 : vector<16xi32>
        %or3A_697 = arith.constant 1065353216 : i32
        %or3A_698 = vector.broadcast %or3A_697 : i32 to vector<16xi32>
        %or3A_699 = arith.ori %and3A_696, %or3A_698 : vector<16xi32>
        %bitcast_convert_type3A_700 = tpu.bitcast %or3A_699 : vector<16xi32> -> vector<16xf32>
        %gt3A_701 = arith.constant 1.41421354 : f32
        %gt3A_702 = vector.broadcast %gt3A_701 : f32 to vector<16xf32>
        %gt3A_703 = arith.cmpf ogt, %bitcast_convert_type3A_700, %gt3A_702 : vector<16xf32>
        %mul3A_704 = arith.constant 5.000000e-01 : f32
        %mul3A_705 = vector.broadcast %mul3A_704 : f32 to vector<16xf32>
        %mul3A_706 = arith.mulf %bitcast_convert_type3A_700, %mul3A_705 : vector<16xf32>
        %select_n3A_707 = arith.select %gt3A_703, %mul3A_706, %bitcast_convert_type3A_700 : vector<16xi1>, vector<16xf32>
        %jit3A_708 = arith.constant 1 : i32
        %jit3A_709 = arith.constant 0 : i32
        %broadcast_in_dim3A_710 = vector.broadcast %jit3A_708 : i32 to vector<16xi32>
        %broadcast_in_dim3A_711 = vector.broadcast %jit3A_709 : i32 to vector<16xi32>
        %select_n3A_712 = arith.select %gt3A_703, %broadcast_in_dim3A_710, %broadcast_in_dim3A_711 : vector<16xi1>, vector<16xi32>
        %add3A_713 = arith.addi %sub3A_693, %select_n3A_712 : vector<16xi32>
        %convert_element_type3A_714 = arith.sitofp %add3A_713 : vector<16xi32> to vector<16xf32>
        %sub3A_715 = arith.constant 1.000000e+00 : f32
        %sub3A_716 = vector.broadcast %sub3A_715 : f32 to vector<16xf32>
        %sub3A_717 = arith.subf %select_n3A_707, %sub3A_716 : vector<16xf32>
        %add3A_718 = arith.constant 1.000000e+00 : f32
        %add3A_719 = vector.broadcast %add3A_718 : f32 to vector<16xf32>
        %add3A_720 = arith.addf %select_n3A_707, %add3A_719 : vector<16xf32>
        %div3A_721 = arith.divf %sub3A_717, %add3A_720 : vector<16xf32>
        %mul3A_722 = arith.mulf %div3A_721, %div3A_721 : vector<16xf32>
        %mul3A_723 = arith.constant 0.142857149 : f32
        %mul3A_724 = vector.broadcast %mul3A_723 : f32 to vector<16xf32>
        %mul3A_725 = arith.mulf %mul3A_722, %mul3A_724 : vector<16xf32>
        %add3A_726 = arith.constant 2.000000e-01 : f32
        %add3A_727 = vector.broadcast %add3A_726 : f32 to vector<16xf32>
        %add3A_728 = arith.addf %add3A_727, %mul3A_725 : vector<16xf32>
        %mul3A_729 = arith.mulf %mul3A_722, %add3A_728 : vector<16xf32>
        %add3A_730 = arith.constant 0.333333343 : f32
        %add3A_731 = vector.broadcast %add3A_730 : f32 to vector<16xf32>
        %add3A_732 = arith.addf %add3A_731, %mul3A_729 : vector<16xf32>
        %mul3A_733 = arith.mulf %mul3A_722, %add3A_732 : vector<16xf32>
        %mul3A_734 = arith.mulf %div3A_721, %mul3A_733 : vector<16xf32>
        %add3A_735 = arith.addf %div3A_721, %mul3A_734 : vector<16xf32>
        %mul3A_736 = arith.constant 2.000000e+00 : f32
        %mul3A_737 = vector.broadcast %mul3A_736 : f32 to vector<16xf32>
        %mul3A_738 = arith.mulf %mul3A_737, %add3A_735 : vector<16xf32>
        %mul3A_739 = arith.constant 0.693145751 : f32
        %mul3A_740 = vector.broadcast %mul3A_739 : f32 to vector<16xf32>
        %mul3A_741 = arith.mulf %convert_element_type3A_714, %mul3A_740 : vector<16xf32>
        %mul3A_742 = arith.constant 1.42860677E-6 : f32
        %mul3A_743 = vector.broadcast %mul3A_742 : f32 to vector<16xf32>
        %mul3A_744 = arith.mulf %convert_element_type3A_714, %mul3A_743 : vector<16xf32>
        %add3A_745 = arith.addf %mul3A_744, %mul3A_738 : vector<16xf32>
        %add3A_746 = arith.addf %mul3A_741, %add3A_745 : vector<16xf32>
        %neg3A_747 = arith.constant 0.000000e+00 : f32
        %neg3A_748 = vector.broadcast %neg3A_747 : f32 to vector<16xf32>
        %neg3A_749 = arith.subf %neg3A_748, %add3A_746 : vector<16xf32>
        %bitcast_convert_type3A_750 = tpu.bitcast %neg3A_749 : vector<16xf32> -> vector<16xi32>
        %shift_right_arithmetic3A_751 = arith.constant 23 : i32
        %shift_right_arithmetic3A_752 = vector.broadcast %shift_right_arithmetic3A_751 : i32 to vector<16xi32>
        %shift_right_arithmetic3A_753 = arith.shrsi %bitcast_convert_type3A_750, %shift_right_arithmetic3A_752 : vector<16xi32>
        %sub3A_754 = arith.constant 127 : i32
        %sub3A_755 = vector.broadcast %sub3A_754 : i32 to vector<16xi32>
        %sub3A_756 = arith.subi %shift_right_arithmetic3A_753, %sub3A_755 : vector<16xi32>
        %and3A_757 = arith.constant 8388607 : i32
        %and3A_758 = vector.broadcast %and3A_757 : i32 to vector<16xi32>
        %and3A_759 = arith.andi %bitcast_convert_type3A_750, %and3A_758 : vector<16xi32>
        %or3A_760 = arith.constant 1065353216 : i32
        %or3A_761 = vector.broadcast %or3A_760 : i32 to vector<16xi32>
        %or3A_762 = arith.ori %and3A_759, %or3A_761 : vector<16xi32>
        %bitcast_convert_type3A_763 = tpu.bitcast %or3A_762 : vector<16xi32> -> vector<16xf32>
        %gt3A_764 = arith.constant 1.41421354 : f32
        %gt3A_765 = vector.broadcast %gt3A_764 : f32 to vector<16xf32>
        %gt3A_766 = arith.cmpf ogt, %bitcast_convert_type3A_763, %gt3A_765 : vector<16xf32>
        %mul3A_767 = arith.constant 5.000000e-01 : f32
        %mul3A_768 = vector.broadcast %mul3A_767 : f32 to vector<16xf32>
        %mul3A_769 = arith.mulf %bitcast_convert_type3A_763, %mul3A_768 : vector<16xf32>
        %select_n3A_770 = arith.select %gt3A_766, %mul3A_769, %bitcast_convert_type3A_763 : vector<16xi1>, vector<16xf32>
        %jit3A_771 = arith.constant 1 : i32
        %jit3A_772 = arith.constant 0 : i32
        %broadcast_in_dim3A_773 = vector.broadcast %jit3A_771 : i32 to vector<16xi32>
        %broadcast_in_dim3A_774 = vector.broadcast %jit3A_772 : i32 to vector<16xi32>
        %select_n3A_775 = arith.select %gt3A_766, %broadcast_in_dim3A_773, %broadcast_in_dim3A_774 : vector<16xi1>, vector<16xi32>
        %add3A_776 = arith.addi %sub3A_756, %select_n3A_775 : vector<16xi32>
        %convert_element_type3A_777 = arith.sitofp %add3A_776 : vector<16xi32> to vector<16xf32>
        %sub3A_778 = arith.constant 1.000000e+00 : f32
        %sub3A_779 = vector.broadcast %sub3A_778 : f32 to vector<16xf32>
        %sub3A_780 = arith.subf %select_n3A_770, %sub3A_779 : vector<16xf32>
        %add3A_781 = arith.constant 1.000000e+00 : f32
        %add3A_782 = vector.broadcast %add3A_781 : f32 to vector<16xf32>
        %add3A_783 = arith.addf %select_n3A_770, %add3A_782 : vector<16xf32>
        %div3A_784 = arith.divf %sub3A_780, %add3A_783 : vector<16xf32>
        %mul3A_785 = arith.mulf %div3A_784, %div3A_784 : vector<16xf32>
        %mul3A_786 = arith.constant 0.142857149 : f32
        %mul3A_787 = vector.broadcast %mul3A_786 : f32 to vector<16xf32>
        %mul3A_788 = arith.mulf %mul3A_785, %mul3A_787 : vector<16xf32>
        %add3A_789 = arith.constant 2.000000e-01 : f32
        %add3A_790 = vector.broadcast %add3A_789 : f32 to vector<16xf32>
        %add3A_791 = arith.addf %add3A_790, %mul3A_788 : vector<16xf32>
        %mul3A_792 = arith.mulf %mul3A_785, %add3A_791 : vector<16xf32>
        %add3A_793 = arith.constant 0.333333343 : f32
        %add3A_794 = vector.broadcast %add3A_793 : f32 to vector<16xf32>
        %add3A_795 = arith.addf %add3A_794, %mul3A_792 : vector<16xf32>
        %mul3A_796 = arith.mulf %mul3A_785, %add3A_795 : vector<16xf32>
        %mul3A_797 = arith.mulf %div3A_784, %mul3A_796 : vector<16xf32>
        %add3A_798 = arith.addf %div3A_784, %mul3A_797 : vector<16xf32>
        %mul3A_799 = arith.constant 2.000000e+00 : f32
        %mul3A_800 = vector.broadcast %mul3A_799 : f32 to vector<16xf32>
        %mul3A_801 = arith.mulf %mul3A_800, %add3A_798 : vector<16xf32>
        %mul3A_802 = arith.constant 0.693145751 : f32
        %mul3A_803 = vector.broadcast %mul3A_802 : f32 to vector<16xf32>
        %mul3A_804 = arith.mulf %convert_element_type3A_777, %mul3A_803 : vector<16xf32>
        %mul3A_805 = arith.constant 1.42860677E-6 : f32
        %mul3A_806 = vector.broadcast %mul3A_805 : f32 to vector<16xf32>
        %mul3A_807 = arith.mulf %convert_element_type3A_777, %mul3A_806 : vector<16xf32>
        %add3A_808 = arith.addf %mul3A_807, %mul3A_801 : vector<16xf32>
        %add3A_809 = arith.addf %mul3A_804, %add3A_808 : vector<16xf32>
        %neg3A_810 = arith.constant 0.000000e+00 : f32
        %neg3A_811 = vector.broadcast %neg3A_810 : f32 to vector<16xf32>
        %neg3A_812 = arith.subf %neg3A_811, %add3A_809 : vector<16xf32>
        %add3A_813 = arith.addf %get3A_429, %neg3A_812 : vector<16xf32>
        %gt3A_814 = arith.cmpf ogt, %add3A_422, %scan3A_36 : vector<16xf32>
        %select_n3A_815 = arith.select %gt3A_814, %add3A_422, %scan3A_36 : vector<16xi1>, vector<16xf32>
        %select_n3A_816 = arith.select %gt3A_814, %add3A_44, %scan3A_37 : vector<16xi1>, vector<16xi32>
        %gt3A_817 = arith.cmpf ogt, %add3A_813, %scan3A_38 : vector<16xf32>
        %select_n3A_818 = arith.select %gt3A_817, %add3A_813, %scan3A_38 : vector<16xi1>, vector<16xf32>
        %select_n3A_819 = arith.select %gt3A_817, %add3A_47, %scan3A_39 : vector<16xi1>, vector<16xi32>
        scf.yield %select_n3A_815, %select_n3A_816, %select_n3A_818, %select_n3A_819 : vector<16xf32>, vector<16xi32>, vector<16xf32>, vector<16xi32>
      }
      %scan3A_34 = arith.constant 128 : i32
      scf.yield %scan3A_33#0, %scan3A_33#1, %scan3A_33#2, %scan3A_33#3 : vector<16xf32>, vector<16xi32>, vector<16xf32>, vector<16xi32>
    }
    %scan3A_12 = arith.constant 48 : i32
    %gt3A = arith.cmpf ogt, %scan3A_11#2, %scan3A_11#0 : vector<16xf32>
    %select_n3A = arith.select %gt3A, %scan3A_11#2, %scan3A_11#0 : vector<16xi1>, vector<16xf32>
    %swap3A = arith.constant 0 : index
    %swap3A_13 = tpu.vector_load %arg6[%swap3A] {strides = array<i32>} : memref<16xf32, #tpu.memory_space<vmem>>, vector<16xf32>,
    %swap3A_14 = vector.shape_cast %swap3A_13 : vector<16xf32> to vector<16xf32>
    %swap3A_15 = vector.shape_cast %select_n3A : vector<16xf32> to vector<16xf32>
    tpu.vector_store %arg6[%swap3A], %swap3A_15 {strides = array<i32>} : memref<16xf32, #tpu.memory_space<vmem>>, vector<16xf32>,
    %select_n3A_16 = arith.select %gt3A, %scan3A_11#3, %scan3A_11#1 : vector<16xi1>, vector<16xi32>
    %swap3A_17 = arith.constant 0 : index
    %swap3A_18 = tpu.vector_load %arg7[%swap3A_17] {strides = array<i32>} : memref<16xi32, #tpu.memory_space<vmem>>, vector<16xi32>,
    %swap3A_19 = vector.shape_cast %swap3A_18 : vector<16xi32> to vector<16xi32>
    %swap3A_20 = vector.shape_cast %select_n3A_16 : vector<16xi32> to vector<16xi32>
    tpu.vector_store %arg7[%swap3A_17], %swap3A_20 {strides = array<i32>} : memref<16xi32, #tpu.memory_space<vmem>>, vector<16xi32>,
    "tpu.region"() ({
      %run_scoped3A = tpu.sem_alloc : memref<!tpu.dma_semaphore, #tpu.memory_space<semaphore_mem>>
      %dma_start3A = arith.constant 0 : i32
      %dma_start3A_21 = tpu.memref_slice %arg3[%add3A, %dma_start3A] : memref<32x16xf32, #tpu.memory_space<hbm>> -> memref<1x16xf32, #tpu.memory_space<hbm>>
      %dma_start3A_22 = tpu.memref_squeeze %dma_start3A_21 : memref<1x16xf32, #tpu.memory_space<hbm>> -> memref<16xf32, #tpu.memory_space<hbm>>
      %dma_start3A_23 = arith.constant 0 : i32
      %dma_start3A_24 = tpu.memref_slice %arg3[%add3A, %dma_start3A_23] : memref<32x16xf32, #tpu.memory_space<hbm>> -> memref<1x16xf32, #tpu.memory_space<hbm>>
      %dma_start3A_25 = tpu.memref_squeeze %dma_start3A_24 : memref<1x16xf32, #tpu.memory_space<hbm>> -> memref<16xf32, #tpu.memory_space<hbm>>
      tpu.enqueue_dma source(%arg6 : memref<16xf32, #tpu.memory_space<vmem>>) target(%dma_start3A_25 : memref<16xf32, #tpu.memory_space<hbm>>) target_semaphore(%run_scoped3A : memref<!tpu.dma_semaphore, #tpu.memory_space<semaphore_mem>>)
      %dma_wait3A = arith.constant 0 : i32
      %dma_wait3A_26 = tpu.memref_slice %arg3[%add3A, %dma_wait3A] : memref<32x16xf32, #tpu.memory_space<hbm>> -> memref<1x16xf32, #tpu.memory_space<hbm>>
      %dma_wait3A_27 = tpu.memref_squeeze %dma_wait3A_26 : memref<1x16xf32, #tpu.memory_space<hbm>> -> memref<16xf32, #tpu.memory_space<hbm>>
      %dma_wait3A_28 = arith.constant 0 : i32
      %dma_wait3A_29 = tpu.memref_slice %arg3[%add3A, %dma_wait3A_28] : memref<32x16xf32, #tpu.memory_space<hbm>> -> memref<1x16xf32, #tpu.memory_space<hbm>>
      %dma_wait3A_30 = tpu.memref_squeeze %dma_wait3A_29 : memref<1x16xf32, #tpu.memory_space<hbm>> -> memref<16xf32, #tpu.memory_space<hbm>>
      tpu.wait_dma2 semaphore(%run_scoped3A : memref<!tpu.dma_semaphore, #tpu.memory_space<semaphore_mem>>) src(%arg6 : memref<16xf32, #tpu.memory_space<vmem>>) dst(%dma_wait3A_30 : memref<16xf32, #tpu.memory_space<hbm>>)
      tpu.yield
    }) : () -> ()
    "tpu.region"() ({
      %run_scoped3A = tpu.sem_alloc : memref<!tpu.dma_semaphore, #tpu.memory_space<semaphore_mem>>
      %dma_start3A = arith.constant 0 : i32
      %dma_start3A_21 = tpu.memref_slice %arg4[%add3A, %dma_start3A] : memref<32x16xi32, #tpu.memory_space<hbm>> -> memref<1x16xi32, #tpu.memory_space<hbm>>
      %dma_start3A_22 = tpu.memref_squeeze %dma_start3A_21 : memref<1x16xi32, #tpu.memory_space<hbm>> -> memref<16xi32, #tpu.memory_space<hbm>>
      %dma_start3A_23 = arith.constant 0 : i32
      %dma_start3A_24 = tpu.memref_slice %arg4[%add3A, %dma_start3A_23] : memref<32x16xi32, #tpu.memory_space<hbm>> -> memref<1x16xi32, #tpu.memory_space<hbm>>
      %dma_start3A_25 = tpu.memref_squeeze %dma_start3A_24 : memref<1x16xi32, #tpu.memory_space<hbm>> -> memref<16xi32, #tpu.memory_space<hbm>>
      tpu.enqueue_dma source(%arg7 : memref<16xi32, #tpu.memory_space<vmem>>) target(%dma_start3A_25 : memref<16xi32, #tpu.memory_space<hbm>>) target_semaphore(%run_scoped3A : memref<!tpu.dma_semaphore, #tpu.memory_space<semaphore_mem>>)
      %dma_wait3A = arith.constant 0 : i32
      %dma_wait3A_26 = tpu.memref_slice %arg4[%add3A, %dma_wait3A] : memref<32x16xi32, #tpu.memory_space<hbm>> -> memref<1x16xi32, #tpu.memory_space<hbm>>
      %dma_wait3A_27 = tpu.memref_squeeze %dma_wait3A_26 : memref<1x16xi32, #tpu.memory_space<hbm>> -> memref<16xi32, #tpu.memory_space<hbm>>
      %dma_wait3A_28 = arith.constant 0 : i32
      %dma_wait3A_29 = tpu.memref_slice %arg4[%add3A, %dma_wait3A_28] : memref<32x16xi32, #tpu.memory_space<hbm>> -> memref<1x16xi32, #tpu.memory_space<hbm>>
      %dma_wait3A_30 = tpu.memref_squeeze %dma_wait3A_29 : memref<1x16xi32, #tpu.memory_space<hbm>> -> memref<16xi32, #tpu.memory_space<hbm>>
      tpu.wait_dma2 semaphore(%run_scoped3A : memref<!tpu.dma_semaphore, #tpu.memory_space<semaphore_mem>>) src(%arg7 : memref<16xi32, #tpu.memory_space<vmem>>) dst(%dma_wait3A_30 : memref<16xi32, #tpu.memory_space<hbm>>)
      tpu.yield
    }) : () -> ()
    return
  }
}

module attributes {stable_mosaic.version = 14 : i64} {
  func.func @_tc_kernel(%arg0: i32, %arg1: memref<32x32768xf32, #tpu.memory_space<vmem>>, %arg2: memref<32x1xi32, #tpu.memory_space<vmem>>, %arg3: memref<32x1xf32, #tpu.memory_space<vmem>>, %arg4: memref<32x512xf32, #tpu.memory_space<vmem>>, %arg5: memref<32x512xi32, #tpu.memory_space<vmem>>) attributes {dimension_semantics = [#tpu.dimension_semantics<arbitrary>], iteration_bounds = array<i64: 25>, scalar_prefetch = 0 : i64, scratch_operands = 2 : i64, tpu.core_type = #tpu.core_type<tc>, window_params = [{transform_indices = @transform_0, window_bounds = array<i64: 32, 32768>}, {pipeline_mode = #tpu.pipeline_mode<synchronous>, transform_indices = @transform_1, window_bounds = array<i64: 32, 1>}, {pipeline_mode = #tpu.pipeline_mode<synchronous>, transform_indices = @transform_2, window_bounds = array<i64: 32, 1>}]} {
    %add3A = arith.constant 6 : i32
    %add3A_0 = arith.addi %arg0, %add3A : i32
    %mul3A = arith.constant 32768 : i32
    %mul3A_1 = arith.muli %add3A_0, %mul3A : i32
    %iota3A = tpu.iota {dimensions = array<i32: 1>} : vector<32x512xi32>
    %iota3A_2 = tpu.iota {dimensions = array<i32: 0>} : vector<32x512xi32>
    %mul3A_3 = arith.constant 1000000 : i32
    %mul3A_4 = vector.broadcast %mul3A_3 : i32 to vector<32x512xi32>
    %mul3A_5 = arith.muli %iota3A_2, %mul3A_4 : vector<32x512xi32>
    %eq3A = arith.constant 0 : i32
    %eq3A_6 = arith.cmpi eq, %arg0, %eq3A : i32
    %convert_element_type3A = arith.extui %eq3A_6 : i1 to i32
    %cond3A = arith.constant 0 : i32
    %cond3A_7 = arith.cmpi ne, %convert_element_type3A, %cond3A : i32
    scf.if %cond3A_7 {
      %broadcast_in_dim3A = arith.constant 0xFF800000 : f32
      %broadcast_in_dim3A_17 = vector.broadcast %broadcast_in_dim3A : f32 to vector<32x512xf32>
      %swap3A = arith.constant 0 : index
      %swap3A_18 = arith.constant 0 : index
      %swap3A_19 = vector.load %arg4[%swap3A, %swap3A_18] : memref<32x512xf32, #tpu.memory_space<vmem>>, vector<32x512xf32>
      tpu.vector_store %arg4[%swap3A, %swap3A_18], %broadcast_in_dim3A_17 {strides = array<i32>} : memref<32x512xf32, #tpu.memory_space<vmem>>, vector<32x512xf32>,
      %broadcast_in_dim3A_20 = arith.constant 0 : i32
      %broadcast_in_dim3A_21 = vector.broadcast %broadcast_in_dim3A_20 : i32 to vector<32x512xi32>
      %swap3A_22 = arith.constant 0 : index
      %swap3A_23 = arith.constant 0 : index
      %swap3A_24 = vector.load %arg5[%swap3A_22, %swap3A_23] : memref<32x512xi32, #tpu.memory_space<vmem>>, vector<32x512xi32>
      tpu.vector_store %arg5[%swap3A_22, %swap3A_23], %broadcast_in_dim3A_21 {strides = array<i32>} : memref<32x512xi32, #tpu.memory_space<vmem>>, vector<32x512xi32>,
    } else {
    }
    %lt3A = arith.constant 24 : i32
    %lt3A_8 = arith.cmpi slt, %arg0, %lt3A : i32
    %convert_element_type3A_9 = arith.extui %lt3A_8 : i1 to i32
    %cond3A_10 = arith.constant 0 : i32
    %cond3A_11 = arith.cmpi ne, %convert_element_type3A_9, %cond3A_10 : i32
    scf.if %cond3A_11 {
      %get3A = arith.constant 0 : index
      %get3A_17 = arith.constant 0 : index
      %get3A_18 = vector.load %arg4[%get3A, %get3A_17] : memref<32x512xf32, #tpu.memory_space<vmem>>, vector<32x512xf32>
      %get3A_19 = arith.constant 0 : index
      %get3A_20 = arith.constant 0 : index
      %get3A_21 = vector.load %arg5[%get3A_19, %get3A_20] : memref<32x512xi32, #tpu.memory_space<vmem>>, vector<32x512xi32>
      %scan3A = arith.constant 0 : i32
      %scan3A_22 = arith.constant 64 : i32
      %scan3A_23 = arith.addi %scan3A, %scan3A_22 : i32
      %scan3A_24 = arith.constant 1 : i32
      %scan3A_25:2 = scf.for %scan3A_32 = %scan3A to %scan3A_23 step %scan3A_24 iter_args(%scan3A_33 = %get3A_18, %scan3A_34 = %get3A_21) -> (vector<32x512xf32>, vector<32x512xi32>)  : i32 {
        %mul3A_35 = arith.constant 512 : i32
        %mul3A_36 = arith.muli %scan3A_32, %mul3A_35 : i32
        %add3A_37 = arith.addi %mul3A_1, %mul3A_36 : i32
        %add3A_38 = vector.broadcast %add3A_37 : i32 to vector<32x512xi32>
        %add3A_39 = arith.addi %iota3A, %add3A_38 : vector<32x512xi32>
        %add3A_40 = arith.addi %mul3A_5, %add3A_39 : vector<32x512xi32>
        %mul3A_41 = arith.constant 512 : i32
        %mul3A_42 = arith.muli %scan3A_32, %mul3A_41 : i32
        %get3A_43 = arith.constant 0 : index
        %get3A_44 = arith.index_cast %mul3A_42 : i32 to index
        %get3A_45 = vector.load %arg1[%get3A_43, %get3A_44] : memref<32x32768xf32, #tpu.memory_space<vmem>>, vector<32x512xf32>
        %broadcast_in_dim3A = arith.constant 0 : i32
        %broadcast_in_dim3A_46 = vector.broadcast %broadcast_in_dim3A : i32 to vector<32x512xi32>
        %add3A_47 = arith.constant 0 : i32
        %add3A_48 = vector.broadcast %add3A_47 : i32 to vector<32x512xi32>
        %add3A_49 = arith.addi %broadcast_in_dim3A_46, %add3A_48 : vector<32x512xi32>
        %add3A_50 = arith.constant 42 : i32
        %add3A_51 = vector.broadcast %add3A_50 : i32 to vector<32x512xi32>
        %add3A_52 = arith.addi %add3A_40, %add3A_51 : vector<32x512xi32>
        %add3A_53 = arith.addi %add3A_49, %add3A_52 : vector<32x512xi32>
        %shift_left3A = arith.constant 13 : i32
        %shift_left3A_54 = vector.broadcast %shift_left3A : i32 to vector<32x512xi32>
        %shift_left3A_55 = arith.shli %add3A_52, %shift_left3A_54 : vector<32x512xi32>
        %shift_right_logical3A = arith.constant 19 : i32
        %shift_right_logical3A_56 = vector.broadcast %shift_right_logical3A : i32 to vector<32x512xi32>
        %shift_right_logical3A_57 = arith.shrui %add3A_52, %shift_right_logical3A_56 : vector<32x512xi32>
        %or3A = arith.ori %shift_left3A_55, %shift_right_logical3A_57 : vector<32x512xi32>
        %xor3A = arith.xori %add3A_53, %or3A : vector<32x512xi32>
        %add3A_58 = arith.addi %add3A_53, %xor3A : vector<32x512xi32>
        %shift_left3A_59 = arith.constant 15 : i32
        %shift_left3A_60 = vector.broadcast %shift_left3A_59 : i32 to vector<32x512xi32>
        %shift_left3A_61 = arith.shli %xor3A, %shift_left3A_60 : vector<32x512xi32>
        %shift_right_logical3A_62 = arith.constant 17 : i32
        %shift_right_logical3A_63 = vector.broadcast %shift_right_logical3A_62 : i32 to vector<32x512xi32>
        %shift_right_logical3A_64 = arith.shrui %xor3A, %shift_right_logical3A_63 : vector<32x512xi32>
        %or3A_65 = arith.ori %shift_left3A_61, %shift_right_logical3A_64 : vector<32x512xi32>
        %xor3A_66 = arith.xori %add3A_58, %or3A_65 : vector<32x512xi32>
        %add3A_67 = arith.addi %add3A_58, %xor3A_66 : vector<32x512xi32>
        %shift_left3A_68 = arith.constant 26 : i32
        %shift_left3A_69 = vector.broadcast %shift_left3A_68 : i32 to vector<32x512xi32>
        %shift_left3A_70 = arith.shli %xor3A_66, %shift_left3A_69 : vector<32x512xi32>
        %shift_right_logical3A_71 = arith.constant 6 : i32
        %shift_right_logical3A_72 = vector.broadcast %shift_right_logical3A_71 : i32 to vector<32x512xi32>
        %shift_right_logical3A_73 = arith.shrui %xor3A_66, %shift_right_logical3A_72 : vector<32x512xi32>
        %or3A_74 = arith.ori %shift_left3A_70, %shift_right_logical3A_73 : vector<32x512xi32>
        %xor3A_75 = arith.xori %add3A_67, %or3A_74 : vector<32x512xi32>
        %add3A_76 = arith.addi %add3A_67, %xor3A_75 : vector<32x512xi32>
        %shift_left3A_77 = arith.constant 6 : i32
        %shift_left3A_78 = vector.broadcast %shift_left3A_77 : i32 to vector<32x512xi32>
        %shift_left3A_79 = arith.shli %xor3A_75, %shift_left3A_78 : vector<32x512xi32>
        %shift_right_logical3A_80 = arith.constant 26 : i32
        %shift_right_logical3A_81 = vector.broadcast %shift_right_logical3A_80 : i32 to vector<32x512xi32>
        %shift_right_logical3A_82 = arith.shrui %xor3A_75, %shift_right_logical3A_81 : vector<32x512xi32>
        %or3A_83 = arith.ori %shift_left3A_79, %shift_right_logical3A_82 : vector<32x512xi32>
        %xor3A_84 = arith.xori %add3A_76, %or3A_83 : vector<32x512xi32>
        %add3A_85 = arith.constant 42 : i32
        %add3A_86 = vector.broadcast %add3A_85 : i32 to vector<32x512xi32>
        %add3A_87 = arith.addi %add3A_76, %add3A_86 : vector<32x512xi32>
        %add3A_88 = arith.constant 466689008 : i32
        %add3A_89 = vector.broadcast %add3A_88 : i32 to vector<32x512xi32>
        %add3A_90 = arith.addi %xor3A_84, %add3A_89 : vector<32x512xi32>
        %add3A_91 = arith.constant 1 : i32
        %add3A_92 = vector.broadcast %add3A_91 : i32 to vector<32x512xi32>
        %add3A_93 = arith.addi %add3A_90, %add3A_92 : vector<32x512xi32>
        %add3A_94 = arith.addi %add3A_87, %add3A_93 : vector<32x512xi32>
        %shift_left3A_95 = arith.constant 17 : i32
        %shift_left3A_96 = vector.broadcast %shift_left3A_95 : i32 to vector<32x512xi32>
        %shift_left3A_97 = arith.shli %add3A_93, %shift_left3A_96 : vector<32x512xi32>
        %shift_right_logical3A_98 = arith.constant 15 : i32
        %shift_right_logical3A_99 = vector.broadcast %shift_right_logical3A_98 : i32 to vector<32x512xi32>
        %shift_right_logical3A_100 = arith.shrui %add3A_93, %shift_right_logical3A_99 : vector<32x512xi32>
        %or3A_101 = arith.ori %shift_left3A_97, %shift_right_logical3A_100 : vector<32x512xi32>
        %xor3A_102 = arith.xori %add3A_94, %or3A_101 : vector<32x512xi32>
        %add3A_103 = arith.addi %add3A_94, %xor3A_102 : vector<32x512xi32>
        %shift_left3A_104 = arith.constant 29 : i32
        %shift_left3A_105 = vector.broadcast %shift_left3A_104 : i32 to vector<32x512xi32>
        %shift_left3A_106 = arith.shli %xor3A_102, %shift_left3A_105 : vector<32x512xi32>
        %shift_right_logical3A_107 = arith.constant 3 : i32
        %shift_right_logical3A_108 = vector.broadcast %shift_right_logical3A_107 : i32 to vector<32x512xi32>
        %shift_right_logical3A_109 = arith.shrui %xor3A_102, %shift_right_logical3A_108 : vector<32x512xi32>
        %or3A_110 = arith.ori %shift_left3A_106, %shift_right_logical3A_109 : vector<32x512xi32>
        %xor3A_111 = arith.xori %add3A_103, %or3A_110 : vector<32x512xi32>
        %add3A_112 = arith.addi %add3A_103, %xor3A_111 : vector<32x512xi32>
        %shift_left3A_113 = arith.constant 16 : i32
        %shift_left3A_114 = vector.broadcast %shift_left3A_113 : i32 to vector<32x512xi32>
        %shift_left3A_115 = arith.shli %xor3A_111, %shift_left3A_114 : vector<32x512xi32>
        %shift_right_logical3A_116 = arith.constant 16 : i32
        %shift_right_logical3A_117 = vector.broadcast %shift_right_logical3A_116 : i32 to vector<32x512xi32>
        %shift_right_logical3A_118 = arith.shrui %xor3A_111, %shift_right_logical3A_117 : vector<32x512xi32>
        %or3A_119 = arith.ori %shift_left3A_115, %shift_right_logical3A_118 : vector<32x512xi32>
        %xor3A_120 = arith.xori %add3A_112, %or3A_119 : vector<32x512xi32>
        %add3A_121 = arith.addi %add3A_112, %xor3A_120 : vector<32x512xi32>
        %shift_left3A_122 = arith.constant 24 : i32
        %shift_left3A_123 = vector.broadcast %shift_left3A_122 : i32 to vector<32x512xi32>
        %shift_left3A_124 = arith.shli %xor3A_120, %shift_left3A_123 : vector<32x512xi32>
        %shift_right_logical3A_125 = arith.constant 8 : i32
        %shift_right_logical3A_126 = vector.broadcast %shift_right_logical3A_125 : i32 to vector<32x512xi32>
        %shift_right_logical3A_127 = arith.shrui %xor3A_120, %shift_right_logical3A_126 : vector<32x512xi32>
        %or3A_128 = arith.ori %shift_left3A_124, %shift_right_logical3A_127 : vector<32x512xi32>
        %xor3A_129 = arith.xori %add3A_121, %or3A_128 : vector<32x512xi32>
        %add3A_130 = arith.constant 466689008 : i32
        %add3A_131 = vector.broadcast %add3A_130 : i32 to vector<32x512xi32>
        %add3A_132 = arith.addi %add3A_121, %add3A_131 : vector<32x512xi32>
        %add3A_133 = arith.constant 0 : i32
        %add3A_134 = vector.broadcast %add3A_133 : i32 to vector<32x512xi32>
        %add3A_135 = arith.addi %xor3A_129, %add3A_134 : vector<32x512xi32>
        %add3A_136 = arith.constant 2 : i32
        %add3A_137 = vector.broadcast %add3A_136 : i32 to vector<32x512xi32>
        %add3A_138 = arith.addi %add3A_135, %add3A_137 : vector<32x512xi32>
        %add3A_139 = arith.addi %add3A_132, %add3A_138 : vector<32x512xi32>
        %shift_left3A_140 = arith.constant 13 : i32
        %shift_left3A_141 = vector.broadcast %shift_left3A_140 : i32 to vector<32x512xi32>
        %shift_left3A_142 = arith.shli %add3A_138, %shift_left3A_141 : vector<32x512xi32>
        %shift_right_logical3A_143 = arith.constant 19 : i32
        %shift_right_logical3A_144 = vector.broadcast %shift_right_logical3A_143 : i32 to vector<32x512xi32>
        %shift_right_logical3A_145 = arith.shrui %add3A_138, %shift_right_logical3A_144 : vector<32x512xi32>
        %or3A_146 = arith.ori %shift_left3A_142, %shift_right_logical3A_145 : vector<32x512xi32>
        %xor3A_147 = arith.xori %add3A_139, %or3A_146 : vector<32x512xi32>
        %add3A_148 = arith.addi %add3A_139, %xor3A_147 : vector<32x512xi32>
        %shift_left3A_149 = arith.constant 15 : i32
        %shift_left3A_150 = vector.broadcast %shift_left3A_149 : i32 to vector<32x512xi32>
        %shift_left3A_151 = arith.shli %xor3A_147, %shift_left3A_150 : vector<32x512xi32>
        %shift_right_logical3A_152 = arith.constant 17 : i32
        %shift_right_logical3A_153 = vector.broadcast %shift_right_logical3A_152 : i32 to vector<32x512xi32>
        %shift_right_logical3A_154 = arith.shrui %xor3A_147, %shift_right_logical3A_153 : vector<32x512xi32>
        %or3A_155 = arith.ori %shift_left3A_151, %shift_right_logical3A_154 : vector<32x512xi32>
        %xor3A_156 = arith.xori %add3A_148, %or3A_155 : vector<32x512xi32>
        %add3A_157 = arith.addi %add3A_148, %xor3A_156 : vector<32x512xi32>
        %shift_left3A_158 = arith.constant 26 : i32
        %shift_left3A_159 = vector.broadcast %shift_left3A_158 : i32 to vector<32x512xi32>
        %shift_left3A_160 = arith.shli %xor3A_156, %shift_left3A_159 : vector<32x512xi32>
        %shift_right_logical3A_161 = arith.constant 6 : i32
        %shift_right_logical3A_162 = vector.broadcast %shift_right_logical3A_161 : i32 to vector<32x512xi32>
        %shift_right_logical3A_163 = arith.shrui %xor3A_156, %shift_right_logical3A_162 : vector<32x512xi32>
        %or3A_164 = arith.ori %shift_left3A_160, %shift_right_logical3A_163 : vector<32x512xi32>
        %xor3A_165 = arith.xori %add3A_157, %or3A_164 : vector<32x512xi32>
        %add3A_166 = arith.addi %add3A_157, %xor3A_165 : vector<32x512xi32>
        %shift_left3A_167 = arith.constant 6 : i32
        %shift_left3A_168 = vector.broadcast %shift_left3A_167 : i32 to vector<32x512xi32>
        %shift_left3A_169 = arith.shli %xor3A_165, %shift_left3A_168 : vector<32x512xi32>
        %shift_right_logical3A_170 = arith.constant 26 : i32
        %shift_right_logical3A_171 = vector.broadcast %shift_right_logical3A_170 : i32 to vector<32x512xi32>
        %shift_right_logical3A_172 = arith.shrui %xor3A_165, %shift_right_logical3A_171 : vector<32x512xi32>
        %or3A_173 = arith.ori %shift_left3A_169, %shift_right_logical3A_172 : vector<32x512xi32>
        %xor3A_174 = arith.xori %add3A_166, %or3A_173 : vector<32x512xi32>
        %add3A_175 = arith.constant 0 : i32
        %add3A_176 = vector.broadcast %add3A_175 : i32 to vector<32x512xi32>
        %add3A_177 = arith.addi %add3A_166, %add3A_176 : vector<32x512xi32>
        %add3A_178 = arith.constant 42 : i32
        %add3A_179 = vector.broadcast %add3A_178 : i32 to vector<32x512xi32>
        %add3A_180 = arith.addi %xor3A_174, %add3A_179 : vector<32x512xi32>
        %add3A_181 = arith.constant 3 : i32
        %add3A_182 = vector.broadcast %add3A_181 : i32 to vector<32x512xi32>
        %add3A_183 = arith.addi %add3A_180, %add3A_182 : vector<32x512xi32>
        %add3A_184 = arith.addi %add3A_177, %add3A_183 : vector<32x512xi32>
        %shift_left3A_185 = arith.constant 17 : i32
        %shift_left3A_186 = vector.broadcast %shift_left3A_185 : i32 to vector<32x512xi32>
        %shift_left3A_187 = arith.shli %add3A_183, %shift_left3A_186 : vector<32x512xi32>
        %shift_right_logical3A_188 = arith.constant 15 : i32
        %shift_right_logical3A_189 = vector.broadcast %shift_right_logical3A_188 : i32 to vector<32x512xi32>
        %shift_right_logical3A_190 = arith.shrui %add3A_183, %shift_right_logical3A_189 : vector<32x512xi32>
        %or3A_191 = arith.ori %shift_left3A_187, %shift_right_logical3A_190 : vector<32x512xi32>
        %xor3A_192 = arith.xori %add3A_184, %or3A_191 : vector<32x512xi32>
        %add3A_193 = arith.addi %add3A_184, %xor3A_192 : vector<32x512xi32>
        %shift_left3A_194 = arith.constant 29 : i32
        %shift_left3A_195 = vector.broadcast %shift_left3A_194 : i32 to vector<32x512xi32>
        %shift_left3A_196 = arith.shli %xor3A_192, %shift_left3A_195 : vector<32x512xi32>
        %shift_right_logical3A_197 = arith.constant 3 : i32
        %shift_right_logical3A_198 = vector.broadcast %shift_right_logical3A_197 : i32 to vector<32x512xi32>
        %shift_right_logical3A_199 = arith.shrui %xor3A_192, %shift_right_logical3A_198 : vector<32x512xi32>
        %or3A_200 = arith.ori %shift_left3A_196, %shift_right_logical3A_199 : vector<32x512xi32>
        %xor3A_201 = arith.xori %add3A_193, %or3A_200 : vector<32x512xi32>
        %add3A_202 = arith.addi %add3A_193, %xor3A_201 : vector<32x512xi32>
        %shift_left3A_203 = arith.constant 16 : i32
        %shift_left3A_204 = vector.broadcast %shift_left3A_203 : i32 to vector<32x512xi32>
        %shift_left3A_205 = arith.shli %xor3A_201, %shift_left3A_204 : vector<32x512xi32>
        %shift_right_logical3A_206 = arith.constant 16 : i32
        %shift_right_logical3A_207 = vector.broadcast %shift_right_logical3A_206 : i32 to vector<32x512xi32>
        %shift_right_logical3A_208 = arith.shrui %xor3A_201, %shift_right_logical3A_207 : vector<32x512xi32>
        %or3A_209 = arith.ori %shift_left3A_205, %shift_right_logical3A_208 : vector<32x512xi32>
        %xor3A_210 = arith.xori %add3A_202, %or3A_209 : vector<32x512xi32>
        %add3A_211 = arith.addi %add3A_202, %xor3A_210 : vector<32x512xi32>
        %shift_left3A_212 = arith.constant 24 : i32
        %shift_left3A_213 = vector.broadcast %shift_left3A_212 : i32 to vector<32x512xi32>
        %shift_left3A_214 = arith.shli %xor3A_210, %shift_left3A_213 : vector<32x512xi32>
        %shift_right_logical3A_215 = arith.constant 8 : i32
        %shift_right_logical3A_216 = vector.broadcast %shift_right_logical3A_215 : i32 to vector<32x512xi32>
        %shift_right_logical3A_217 = arith.shrui %xor3A_210, %shift_right_logical3A_216 : vector<32x512xi32>
        %or3A_218 = arith.ori %shift_left3A_214, %shift_right_logical3A_217 : vector<32x512xi32>
        %xor3A_219 = arith.xori %add3A_211, %or3A_218 : vector<32x512xi32>
        %add3A_220 = arith.constant 42 : i32
        %add3A_221 = vector.broadcast %add3A_220 : i32 to vector<32x512xi32>
        %add3A_222 = arith.addi %add3A_211, %add3A_221 : vector<32x512xi32>
        %add3A_223 = arith.constant 466689008 : i32
        %add3A_224 = vector.broadcast %add3A_223 : i32 to vector<32x512xi32>
        %add3A_225 = arith.addi %xor3A_219, %add3A_224 : vector<32x512xi32>
        %add3A_226 = arith.constant 4 : i32
        %add3A_227 = vector.broadcast %add3A_226 : i32 to vector<32x512xi32>
        %add3A_228 = arith.addi %add3A_225, %add3A_227 : vector<32x512xi32>
        %add3A_229 = arith.addi %add3A_222, %add3A_228 : vector<32x512xi32>
        %shift_left3A_230 = arith.constant 13 : i32
        %shift_left3A_231 = vector.broadcast %shift_left3A_230 : i32 to vector<32x512xi32>
        %shift_left3A_232 = arith.shli %add3A_228, %shift_left3A_231 : vector<32x512xi32>
        %shift_right_logical3A_233 = arith.constant 19 : i32
        %shift_right_logical3A_234 = vector.broadcast %shift_right_logical3A_233 : i32 to vector<32x512xi32>
        %shift_right_logical3A_235 = arith.shrui %add3A_228, %shift_right_logical3A_234 : vector<32x512xi32>
        %or3A_236 = arith.ori %shift_left3A_232, %shift_right_logical3A_235 : vector<32x512xi32>
        %xor3A_237 = arith.xori %add3A_229, %or3A_236 : vector<32x512xi32>
        %add3A_238 = arith.addi %add3A_229, %xor3A_237 : vector<32x512xi32>
        %shift_left3A_239 = arith.constant 15 : i32
        %shift_left3A_240 = vector.broadcast %shift_left3A_239 : i32 to vector<32x512xi32>
        %shift_left3A_241 = arith.shli %xor3A_237, %shift_left3A_240 : vector<32x512xi32>
        %shift_right_logical3A_242 = arith.constant 17 : i32
        %shift_right_logical3A_243 = vector.broadcast %shift_right_logical3A_242 : i32 to vector<32x512xi32>
        %shift_right_logical3A_244 = arith.shrui %xor3A_237, %shift_right_logical3A_243 : vector<32x512xi32>
        %or3A_245 = arith.ori %shift_left3A_241, %shift_right_logical3A_244 : vector<32x512xi32>
        %xor3A_246 = arith.xori %add3A_238, %or3A_245 : vector<32x512xi32>
        %add3A_247 = arith.addi %add3A_238, %xor3A_246 : vector<32x512xi32>
        %shift_left3A_248 = arith.constant 26 : i32
        %shift_left3A_249 = vector.broadcast %shift_left3A_248 : i32 to vector<32x512xi32>
        %shift_left3A_250 = arith.shli %xor3A_246, %shift_left3A_249 : vector<32x512xi32>
        %shift_right_logical3A_251 = arith.constant 6 : i32
        %shift_right_logical3A_252 = vector.broadcast %shift_right_logical3A_251 : i32 to vector<32x512xi32>
        %shift_right_logical3A_253 = arith.shrui %xor3A_246, %shift_right_logical3A_252 : vector<32x512xi32>
        %or3A_254 = arith.ori %shift_left3A_250, %shift_right_logical3A_253 : vector<32x512xi32>
        %xor3A_255 = arith.xori %add3A_247, %or3A_254 : vector<32x512xi32>
        %add3A_256 = arith.addi %add3A_247, %xor3A_255 : vector<32x512xi32>
        %shift_left3A_257 = arith.constant 6 : i32
        %shift_left3A_258 = vector.broadcast %shift_left3A_257 : i32 to vector<32x512xi32>
        %shift_left3A_259 = arith.shli %xor3A_255, %shift_left3A_258 : vector<32x512xi32>
        %shift_right_logical3A_260 = arith.constant 26 : i32
        %shift_right_logical3A_261 = vector.broadcast %shift_right_logical3A_260 : i32 to vector<32x512xi32>
        %shift_right_logical3A_262 = arith.shrui %xor3A_255, %shift_right_logical3A_261 : vector<32x512xi32>
        %or3A_263 = arith.ori %shift_left3A_259, %shift_right_logical3A_262 : vector<32x512xi32>
        %xor3A_264 = arith.xori %add3A_256, %or3A_263 : vector<32x512xi32>
        %add3A_265 = arith.constant 466689008 : i32
        %add3A_266 = vector.broadcast %add3A_265 : i32 to vector<32x512xi32>
        %add3A_267 = arith.addi %add3A_256, %add3A_266 : vector<32x512xi32>
        %add3A_268 = arith.constant 0 : i32
        %add3A_269 = vector.broadcast %add3A_268 : i32 to vector<32x512xi32>
        %add3A_270 = arith.addi %xor3A_264, %add3A_269 : vector<32x512xi32>
        %add3A_271 = arith.constant 5 : i32
        %add3A_272 = vector.broadcast %add3A_271 : i32 to vector<32x512xi32>
        %add3A_273 = arith.addi %add3A_270, %add3A_272 : vector<32x512xi32>
        %xor3A_274 = arith.xori %add3A_267, %add3A_273 : vector<32x512xi32>
        %shift_right_logical3A_275 = arith.constant 9 : i32
        %shift_right_logical3A_276 = vector.broadcast %shift_right_logical3A_275 : i32 to vector<32x512xi32>
        %shift_right_logical3A_277 = arith.shrui %xor3A_274, %shift_right_logical3A_276 : vector<32x512xi32>
        %or3A_278 = arith.constant 1065353216 : i32
        %or3A_279 = vector.broadcast %or3A_278 : i32 to vector<32x512xi32>
        %or3A_280 = arith.ori %shift_right_logical3A_277, %or3A_279 : vector<32x512xi32>
        %bitcast_convert_type3A = tpu.bitcast %or3A_280 : vector<32x512xi32> -> vector<32x512xf32>
        %sub3A = arith.constant 1.000000e+00 : f32
        %sub3A_281 = vector.broadcast %sub3A : f32 to vector<32x512xf32>
        %sub3A_282 = arith.subf %bitcast_convert_type3A, %sub3A_281 : vector<32x512xf32>
        %sub3A_283 = arith.constant 0.99999988 : f32
        %sub3A_284 = arith.constant 1.000000e-07 : f32
        %sub3A_285 = arith.subf %sub3A_283, %sub3A_284 : f32
        %mul3A_286 = vector.broadcast %sub3A_285 : f32 to vector<32x512xf32>
        %mul3A_287 = arith.mulf %sub3A_282, %mul3A_286 : vector<32x512xf32>
        %add3A_288 = arith.constant 1.000000e-07 : f32
        %add3A_289 = vector.broadcast %add3A_288 : f32 to vector<32x512xf32>
        %add3A_290 = arith.addf %mul3A_287, %add3A_289 : vector<32x512xf32>
        %max3A = arith.constant 1.000000e-07 : f32
        %max3A_291 = vector.broadcast %max3A : f32 to vector<32x512xf32>
        %max3A_292 = arith.maximumf %max3A_291, %add3A_290 : vector<32x512xf32>
        %log3A = math.log %max3A_292 : vector<32x512xf32>
        %neg3A = arith.constant 0.000000e+00 : f32
        %neg3A_293 = vector.broadcast %neg3A : f32 to vector<32x512xf32>
        %neg3A_294 = arith.subf %neg3A_293, %log3A : vector<32x512xf32>
        %log3A_295 = math.log %neg3A_294 : vector<32x512xf32>
        %neg3A_296 = arith.constant 0.000000e+00 : f32
        %neg3A_297 = vector.broadcast %neg3A_296 : f32 to vector<32x512xf32>
        %neg3A_298 = arith.subf %neg3A_297, %log3A_295 : vector<32x512xf32>
        %add3A_299 = arith.addf %get3A_45, %neg3A_298 : vector<32x512xf32>
        %gt3A = arith.cmpf ogt, %add3A_299, %scan3A_33 : vector<32x512xf32>
        %select_n3A = arith.select %gt3A, %add3A_299, %scan3A_33 : vector<32x512xi1>, vector<32x512xf32>
        %select_n3A_300 = arith.select %gt3A, %add3A_39, %scan3A_34 : vector<32x512xi1>, vector<32x512xi32>
        scf.yield %select_n3A, %select_n3A_300 : vector<32x512xf32>, vector<32x512xi32>
      }
      %scan3A_26 = arith.constant 64 : i32
      %swap3A = arith.constant 0 : index
      %swap3A_27 = arith.constant 0 : index
      %swap3A_28 = vector.load %arg4[%swap3A, %swap3A_27] : memref<32x512xf32, #tpu.memory_space<vmem>>, vector<32x512xf32>
      tpu.vector_store %arg4[%swap3A, %swap3A_27], %scan3A_25#0 {strides = array<i32>} : memref<32x512xf32, #tpu.memory_space<vmem>>, vector<32x512xf32>,
      %swap3A_29 = arith.constant 0 : index
      %swap3A_30 = arith.constant 0 : index
      %swap3A_31 = vector.load %arg5[%swap3A_29, %swap3A_30] : memref<32x512xi32, #tpu.memory_space<vmem>>, vector<32x512xi32>
      tpu.vector_store %arg5[%swap3A_29, %swap3A_30], %scan3A_25#1 {strides = array<i32>} : memref<32x512xi32, #tpu.memory_space<vmem>>, vector<32x512xi32>,
    } else {
    }
    %eq3A_12 = arith.constant 24 : i32
    %eq3A_13 = arith.cmpi eq, %arg0, %eq3A_12 : i32
    %convert_element_type3A_14 = arith.extui %eq3A_13 : i1 to i32
    %cond3A_15 = arith.constant 0 : i32
    %cond3A_16 = arith.cmpi ne, %convert_element_type3A_14, %cond3A_15 : i32
    scf.if %cond3A_16 {
      %get3A = arith.constant 0 : index
      %get3A_17 = arith.constant 0 : index
      %get3A_18 = vector.load %arg4[%get3A, %get3A_17] : memref<32x512xf32, #tpu.memory_space<vmem>>, vector<32x512xf32>
      %get3A_19 = arith.constant 0 : index
      %get3A_20 = arith.constant 0 : index
      %get3A_21 = vector.load %arg5[%get3A_19, %get3A_20] : memref<32x512xi32, #tpu.memory_space<vmem>>, vector<32x512xi32>
      %scan3A = arith.constant 0 : i32
      %scan3A_22 = arith.constant 64 : i32
      %scan3A_23 = arith.addi %scan3A, %scan3A_22 : i32
      %scan3A_24 = arith.constant 1 : i32
      %scan3A_25:2 = scf.for %scan3A_38 = %scan3A to %scan3A_23 step %scan3A_24 iter_args(%scan3A_39 = %get3A_18, %scan3A_40 = %get3A_21) -> (vector<32x512xf32>, vector<32x512xi32>)  : i32 {
        %mul3A_41 = arith.constant 512 : i32
        %mul3A_42 = arith.muli %scan3A_38, %mul3A_41 : i32
        %add3A_43 = arith.addi %mul3A_1, %mul3A_42 : i32
        %add3A_44 = vector.broadcast %add3A_43 : i32 to vector<32x512xi32>
        %add3A_45 = arith.addi %iota3A, %add3A_44 : vector<32x512xi32>
        %add3A_46 = arith.addi %mul3A_5, %add3A_45 : vector<32x512xi32>
        %mul3A_47 = arith.constant 512 : i32
        %mul3A_48 = arith.muli %scan3A_38, %mul3A_47 : i32
        %get3A_49 = arith.constant 0 : index
        %get3A_50 = arith.index_cast %mul3A_48 : i32 to index
        %get3A_51 = vector.load %arg1[%get3A_49, %get3A_50] : memref<32x32768xf32, #tpu.memory_space<vmem>>, vector<32x512xf32>
        %broadcast_in_dim3A_52 = arith.constant 0 : i32
        %broadcast_in_dim3A_53 = vector.broadcast %broadcast_in_dim3A_52 : i32 to vector<32x512xi32>
        %add3A_54 = arith.constant 0 : i32
        %add3A_55 = vector.broadcast %add3A_54 : i32 to vector<32x512xi32>
        %add3A_56 = arith.addi %broadcast_in_dim3A_53, %add3A_55 : vector<32x512xi32>
        %add3A_57 = arith.constant 42 : i32
        %add3A_58 = vector.broadcast %add3A_57 : i32 to vector<32x512xi32>
        %add3A_59 = arith.addi %add3A_46, %add3A_58 : vector<32x512xi32>
        %add3A_60 = arith.addi %add3A_56, %add3A_59 : vector<32x512xi32>
        %shift_left3A = arith.constant 13 : i32
        %shift_left3A_61 = vector.broadcast %shift_left3A : i32 to vector<32x512xi32>
        %shift_left3A_62 = arith.shli %add3A_59, %shift_left3A_61 : vector<32x512xi32>
        %shift_right_logical3A = arith.constant 19 : i32
        %shift_right_logical3A_63 = vector.broadcast %shift_right_logical3A : i32 to vector<32x512xi32>
        %shift_right_logical3A_64 = arith.shrui %add3A_59, %shift_right_logical3A_63 : vector<32x512xi32>
        %or3A = arith.ori %shift_left3A_62, %shift_right_logical3A_64 : vector<32x512xi32>
        %xor3A = arith.xori %add3A_60, %or3A : vector<32x512xi32>
        %add3A_65 = arith.addi %add3A_60, %xor3A : vector<32x512xi32>
        %shift_left3A_66 = arith.constant 15 : i32
        %shift_left3A_67 = vector.broadcast %shift_left3A_66 : i32 to vector<32x512xi32>
        %shift_left3A_68 = arith.shli %xor3A, %shift_left3A_67 : vector<32x512xi32>
        %shift_right_logical3A_69 = arith.constant 17 : i32
        %shift_right_logical3A_70 = vector.broadcast %shift_right_logical3A_69 : i32 to vector<32x512xi32>
        %shift_right_logical3A_71 = arith.shrui %xor3A, %shift_right_logical3A_70 : vector<32x512xi32>
        %or3A_72 = arith.ori %shift_left3A_68, %shift_right_logical3A_71 : vector<32x512xi32>
        %xor3A_73 = arith.xori %add3A_65, %or3A_72 : vector<32x512xi32>
        %add3A_74 = arith.addi %add3A_65, %xor3A_73 : vector<32x512xi32>
        %shift_left3A_75 = arith.constant 26 : i32
        %shift_left3A_76 = vector.broadcast %shift_left3A_75 : i32 to vector<32x512xi32>
        %shift_left3A_77 = arith.shli %xor3A_73, %shift_left3A_76 : vector<32x512xi32>
        %shift_right_logical3A_78 = arith.constant 6 : i32
        %shift_right_logical3A_79 = vector.broadcast %shift_right_logical3A_78 : i32 to vector<32x512xi32>
        %shift_right_logical3A_80 = arith.shrui %xor3A_73, %shift_right_logical3A_79 : vector<32x512xi32>
        %or3A_81 = arith.ori %shift_left3A_77, %shift_right_logical3A_80 : vector<32x512xi32>
        %xor3A_82 = arith.xori %add3A_74, %or3A_81 : vector<32x512xi32>
        %add3A_83 = arith.addi %add3A_74, %xor3A_82 : vector<32x512xi32>
        %shift_left3A_84 = arith.constant 6 : i32
        %shift_left3A_85 = vector.broadcast %shift_left3A_84 : i32 to vector<32x512xi32>
        %shift_left3A_86 = arith.shli %xor3A_82, %shift_left3A_85 : vector<32x512xi32>
        %shift_right_logical3A_87 = arith.constant 26 : i32
        %shift_right_logical3A_88 = vector.broadcast %shift_right_logical3A_87 : i32 to vector<32x512xi32>
        %shift_right_logical3A_89 = arith.shrui %xor3A_82, %shift_right_logical3A_88 : vector<32x512xi32>
        %or3A_90 = arith.ori %shift_left3A_86, %shift_right_logical3A_89 : vector<32x512xi32>
        %xor3A_91 = arith.xori %add3A_83, %or3A_90 : vector<32x512xi32>
        %add3A_92 = arith.constant 42 : i32
        %add3A_93 = vector.broadcast %add3A_92 : i32 to vector<32x512xi32>
        %add3A_94 = arith.addi %add3A_83, %add3A_93 : vector<32x512xi32>
        %add3A_95 = arith.constant 466689008 : i32
        %add3A_96 = vector.broadcast %add3A_95 : i32 to vector<32x512xi32>
        %add3A_97 = arith.addi %xor3A_91, %add3A_96 : vector<32x512xi32>
        %add3A_98 = arith.constant 1 : i32
        %add3A_99 = vector.broadcast %add3A_98 : i32 to vector<32x512xi32>
        %add3A_100 = arith.addi %add3A_97, %add3A_99 : vector<32x512xi32>
        %add3A_101 = arith.addi %add3A_94, %add3A_100 : vector<32x512xi32>
        %shift_left3A_102 = arith.constant 17 : i32
        %shift_left3A_103 = vector.broadcast %shift_left3A_102 : i32 to vector<32x512xi32>
        %shift_left3A_104 = arith.shli %add3A_100, %shift_left3A_103 : vector<32x512xi32>
        %shift_right_logical3A_105 = arith.constant 15 : i32
        %shift_right_logical3A_106 = vector.broadcast %shift_right_logical3A_105 : i32 to vector<32x512xi32>
        %shift_right_logical3A_107 = arith.shrui %add3A_100, %shift_right_logical3A_106 : vector<32x512xi32>
        %or3A_108 = arith.ori %shift_left3A_104, %shift_right_logical3A_107 : vector<32x512xi32>
        %xor3A_109 = arith.xori %add3A_101, %or3A_108 : vector<32x512xi32>
        %add3A_110 = arith.addi %add3A_101, %xor3A_109 : vector<32x512xi32>
        %shift_left3A_111 = arith.constant 29 : i32
        %shift_left3A_112 = vector.broadcast %shift_left3A_111 : i32 to vector<32x512xi32>
        %shift_left3A_113 = arith.shli %xor3A_109, %shift_left3A_112 : vector<32x512xi32>
        %shift_right_logical3A_114 = arith.constant 3 : i32
        %shift_right_logical3A_115 = vector.broadcast %shift_right_logical3A_114 : i32 to vector<32x512xi32>
        %shift_right_logical3A_116 = arith.shrui %xor3A_109, %shift_right_logical3A_115 : vector<32x512xi32>
        %or3A_117 = arith.ori %shift_left3A_113, %shift_right_logical3A_116 : vector<32x512xi32>
        %xor3A_118 = arith.xori %add3A_110, %or3A_117 : vector<32x512xi32>
        %add3A_119 = arith.addi %add3A_110, %xor3A_118 : vector<32x512xi32>
        %shift_left3A_120 = arith.constant 16 : i32
        %shift_left3A_121 = vector.broadcast %shift_left3A_120 : i32 to vector<32x512xi32>
        %shift_left3A_122 = arith.shli %xor3A_118, %shift_left3A_121 : vector<32x512xi32>
        %shift_right_logical3A_123 = arith.constant 16 : i32
        %shift_right_logical3A_124 = vector.broadcast %shift_right_logical3A_123 : i32 to vector<32x512xi32>
        %shift_right_logical3A_125 = arith.shrui %xor3A_118, %shift_right_logical3A_124 : vector<32x512xi32>
        %or3A_126 = arith.ori %shift_left3A_122, %shift_right_logical3A_125 : vector<32x512xi32>
        %xor3A_127 = arith.xori %add3A_119, %or3A_126 : vector<32x512xi32>
        %add3A_128 = arith.addi %add3A_119, %xor3A_127 : vector<32x512xi32>
        %shift_left3A_129 = arith.constant 24 : i32
        %shift_left3A_130 = vector.broadcast %shift_left3A_129 : i32 to vector<32x512xi32>
        %shift_left3A_131 = arith.shli %xor3A_127, %shift_left3A_130 : vector<32x512xi32>
        %shift_right_logical3A_132 = arith.constant 8 : i32
        %shift_right_logical3A_133 = vector.broadcast %shift_right_logical3A_132 : i32 to vector<32x512xi32>
        %shift_right_logical3A_134 = arith.shrui %xor3A_127, %shift_right_logical3A_133 : vector<32x512xi32>
        %or3A_135 = arith.ori %shift_left3A_131, %shift_right_logical3A_134 : vector<32x512xi32>
        %xor3A_136 = arith.xori %add3A_128, %or3A_135 : vector<32x512xi32>
        %add3A_137 = arith.constant 466689008 : i32
        %add3A_138 = vector.broadcast %add3A_137 : i32 to vector<32x512xi32>
        %add3A_139 = arith.addi %add3A_128, %add3A_138 : vector<32x512xi32>
        %add3A_140 = arith.constant 0 : i32
        %add3A_141 = vector.broadcast %add3A_140 : i32 to vector<32x512xi32>
        %add3A_142 = arith.addi %xor3A_136, %add3A_141 : vector<32x512xi32>
        %add3A_143 = arith.constant 2 : i32
        %add3A_144 = vector.broadcast %add3A_143 : i32 to vector<32x512xi32>
        %add3A_145 = arith.addi %add3A_142, %add3A_144 : vector<32x512xi32>
        %add3A_146 = arith.addi %add3A_139, %add3A_145 : vector<32x512xi32>
        %shift_left3A_147 = arith.constant 13 : i32
        %shift_left3A_148 = vector.broadcast %shift_left3A_147 : i32 to vector<32x512xi32>
        %shift_left3A_149 = arith.shli %add3A_145, %shift_left3A_148 : vector<32x512xi32>
        %shift_right_logical3A_150 = arith.constant 19 : i32
        %shift_right_logical3A_151 = vector.broadcast %shift_right_logical3A_150 : i32 to vector<32x512xi32>
        %shift_right_logical3A_152 = arith.shrui %add3A_145, %shift_right_logical3A_151 : vector<32x512xi32>
        %or3A_153 = arith.ori %shift_left3A_149, %shift_right_logical3A_152 : vector<32x512xi32>
        %xor3A_154 = arith.xori %add3A_146, %or3A_153 : vector<32x512xi32>
        %add3A_155 = arith.addi %add3A_146, %xor3A_154 : vector<32x512xi32>
        %shift_left3A_156 = arith.constant 15 : i32
        %shift_left3A_157 = vector.broadcast %shift_left3A_156 : i32 to vector<32x512xi32>
        %shift_left3A_158 = arith.shli %xor3A_154, %shift_left3A_157 : vector<32x512xi32>
        %shift_right_logical3A_159 = arith.constant 17 : i32
        %shift_right_logical3A_160 = vector.broadcast %shift_right_logical3A_159 : i32 to vector<32x512xi32>
        %shift_right_logical3A_161 = arith.shrui %xor3A_154, %shift_right_logical3A_160 : vector<32x512xi32>
        %or3A_162 = arith.ori %shift_left3A_158, %shift_right_logical3A_161 : vector<32x512xi32>
        %xor3A_163 = arith.xori %add3A_155, %or3A_162 : vector<32x512xi32>
        %add3A_164 = arith.addi %add3A_155, %xor3A_163 : vector<32x512xi32>
        %shift_left3A_165 = arith.constant 26 : i32
        %shift_left3A_166 = vector.broadcast %shift_left3A_165 : i32 to vector<32x512xi32>
        %shift_left3A_167 = arith.shli %xor3A_163, %shift_left3A_166 : vector<32x512xi32>
        %shift_right_logical3A_168 = arith.constant 6 : i32
        %shift_right_logical3A_169 = vector.broadcast %shift_right_logical3A_168 : i32 to vector<32x512xi32>
        %shift_right_logical3A_170 = arith.shrui %xor3A_163, %shift_right_logical3A_169 : vector<32x512xi32>
        %or3A_171 = arith.ori %shift_left3A_167, %shift_right_logical3A_170 : vector<32x512xi32>
        %xor3A_172 = arith.xori %add3A_164, %or3A_171 : vector<32x512xi32>
        %add3A_173 = arith.addi %add3A_164, %xor3A_172 : vector<32x512xi32>
        %shift_left3A_174 = arith.constant 6 : i32
        %shift_left3A_175 = vector.broadcast %shift_left3A_174 : i32 to vector<32x512xi32>
        %shift_left3A_176 = arith.shli %xor3A_172, %shift_left3A_175 : vector<32x512xi32>
        %shift_right_logical3A_177 = arith.constant 26 : i32
        %shift_right_logical3A_178 = vector.broadcast %shift_right_logical3A_177 : i32 to vector<32x512xi32>
        %shift_right_logical3A_179 = arith.shrui %xor3A_172, %shift_right_logical3A_178 : vector<32x512xi32>
        %or3A_180 = arith.ori %shift_left3A_176, %shift_right_logical3A_179 : vector<32x512xi32>
        %xor3A_181 = arith.xori %add3A_173, %or3A_180 : vector<32x512xi32>
        %add3A_182 = arith.constant 0 : i32
        %add3A_183 = vector.broadcast %add3A_182 : i32 to vector<32x512xi32>
        %add3A_184 = arith.addi %add3A_173, %add3A_183 : vector<32x512xi32>
        %add3A_185 = arith.constant 42 : i32
        %add3A_186 = vector.broadcast %add3A_185 : i32 to vector<32x512xi32>
        %add3A_187 = arith.addi %xor3A_181, %add3A_186 : vector<32x512xi32>
        %add3A_188 = arith.constant 3 : i32
        %add3A_189 = vector.broadcast %add3A_188 : i32 to vector<32x512xi32>
        %add3A_190 = arith.addi %add3A_187, %add3A_189 : vector<32x512xi32>
        %add3A_191 = arith.addi %add3A_184, %add3A_190 : vector<32x512xi32>
        %shift_left3A_192 = arith.constant 17 : i32
        %shift_left3A_193 = vector.broadcast %shift_left3A_192 : i32 to vector<32x512xi32>
        %shift_left3A_194 = arith.shli %add3A_190, %shift_left3A_193 : vector<32x512xi32>
        %shift_right_logical3A_195 = arith.constant 15 : i32
        %shift_right_logical3A_196 = vector.broadcast %shift_right_logical3A_195 : i32 to vector<32x512xi32>
        %shift_right_logical3A_197 = arith.shrui %add3A_190, %shift_right_logical3A_196 : vector<32x512xi32>
        %or3A_198 = arith.ori %shift_left3A_194, %shift_right_logical3A_197 : vector<32x512xi32>
        %xor3A_199 = arith.xori %add3A_191, %or3A_198 : vector<32x512xi32>
        %add3A_200 = arith.addi %add3A_191, %xor3A_199 : vector<32x512xi32>
        %shift_left3A_201 = arith.constant 29 : i32
        %shift_left3A_202 = vector.broadcast %shift_left3A_201 : i32 to vector<32x512xi32>
        %shift_left3A_203 = arith.shli %xor3A_199, %shift_left3A_202 : vector<32x512xi32>
        %shift_right_logical3A_204 = arith.constant 3 : i32
        %shift_right_logical3A_205 = vector.broadcast %shift_right_logical3A_204 : i32 to vector<32x512xi32>
        %shift_right_logical3A_206 = arith.shrui %xor3A_199, %shift_right_logical3A_205 : vector<32x512xi32>
        %or3A_207 = arith.ori %shift_left3A_203, %shift_right_logical3A_206 : vector<32x512xi32>
        %xor3A_208 = arith.xori %add3A_200, %or3A_207 : vector<32x512xi32>
        %add3A_209 = arith.addi %add3A_200, %xor3A_208 : vector<32x512xi32>
        %shift_left3A_210 = arith.constant 16 : i32
        %shift_left3A_211 = vector.broadcast %shift_left3A_210 : i32 to vector<32x512xi32>
        %shift_left3A_212 = arith.shli %xor3A_208, %shift_left3A_211 : vector<32x512xi32>
        %shift_right_logical3A_213 = arith.constant 16 : i32
        %shift_right_logical3A_214 = vector.broadcast %shift_right_logical3A_213 : i32 to vector<32x512xi32>
        %shift_right_logical3A_215 = arith.shrui %xor3A_208, %shift_right_logical3A_214 : vector<32x512xi32>
        %or3A_216 = arith.ori %shift_left3A_212, %shift_right_logical3A_215 : vector<32x512xi32>
        %xor3A_217 = arith.xori %add3A_209, %or3A_216 : vector<32x512xi32>
        %add3A_218 = arith.addi %add3A_209, %xor3A_217 : vector<32x512xi32>
        %shift_left3A_219 = arith.constant 24 : i32
        %shift_left3A_220 = vector.broadcast %shift_left3A_219 : i32 to vector<32x512xi32>
        %shift_left3A_221 = arith.shli %xor3A_217, %shift_left3A_220 : vector<32x512xi32>
        %shift_right_logical3A_222 = arith.constant 8 : i32
        %shift_right_logical3A_223 = vector.broadcast %shift_right_logical3A_222 : i32 to vector<32x512xi32>
        %shift_right_logical3A_224 = arith.shrui %xor3A_217, %shift_right_logical3A_223 : vector<32x512xi32>
        %or3A_225 = arith.ori %shift_left3A_221, %shift_right_logical3A_224 : vector<32x512xi32>
        %xor3A_226 = arith.xori %add3A_218, %or3A_225 : vector<32x512xi32>
        %add3A_227 = arith.constant 42 : i32
        %add3A_228 = vector.broadcast %add3A_227 : i32 to vector<32x512xi32>
        %add3A_229 = arith.addi %add3A_218, %add3A_228 : vector<32x512xi32>
        %add3A_230 = arith.constant 466689008 : i32
        %add3A_231 = vector.broadcast %add3A_230 : i32 to vector<32x512xi32>
        %add3A_232 = arith.addi %xor3A_226, %add3A_231 : vector<32x512xi32>
        %add3A_233 = arith.constant 4 : i32
        %add3A_234 = vector.broadcast %add3A_233 : i32 to vector<32x512xi32>
        %add3A_235 = arith.addi %add3A_232, %add3A_234 : vector<32x512xi32>
        %add3A_236 = arith.addi %add3A_229, %add3A_235 : vector<32x512xi32>
        %shift_left3A_237 = arith.constant 13 : i32
        %shift_left3A_238 = vector.broadcast %shift_left3A_237 : i32 to vector<32x512xi32>
        %shift_left3A_239 = arith.shli %add3A_235, %shift_left3A_238 : vector<32x512xi32>
        %shift_right_logical3A_240 = arith.constant 19 : i32
        %shift_right_logical3A_241 = vector.broadcast %shift_right_logical3A_240 : i32 to vector<32x512xi32>
        %shift_right_logical3A_242 = arith.shrui %add3A_235, %shift_right_logical3A_241 : vector<32x512xi32>
        %or3A_243 = arith.ori %shift_left3A_239, %shift_right_logical3A_242 : vector<32x512xi32>
        %xor3A_244 = arith.xori %add3A_236, %or3A_243 : vector<32x512xi32>
        %add3A_245 = arith.addi %add3A_236, %xor3A_244 : vector<32x512xi32>
        %shift_left3A_246 = arith.constant 15 : i32
        %shift_left3A_247 = vector.broadcast %shift_left3A_246 : i32 to vector<32x512xi32>
        %shift_left3A_248 = arith.shli %xor3A_244, %shift_left3A_247 : vector<32x512xi32>
        %shift_right_logical3A_249 = arith.constant 17 : i32
        %shift_right_logical3A_250 = vector.broadcast %shift_right_logical3A_249 : i32 to vector<32x512xi32>
        %shift_right_logical3A_251 = arith.shrui %xor3A_244, %shift_right_logical3A_250 : vector<32x512xi32>
        %or3A_252 = arith.ori %shift_left3A_248, %shift_right_logical3A_251 : vector<32x512xi32>
        %xor3A_253 = arith.xori %add3A_245, %or3A_252 : vector<32x512xi32>
        %add3A_254 = arith.addi %add3A_245, %xor3A_253 : vector<32x512xi32>
        %shift_left3A_255 = arith.constant 26 : i32
        %shift_left3A_256 = vector.broadcast %shift_left3A_255 : i32 to vector<32x512xi32>
        %shift_left3A_257 = arith.shli %xor3A_253, %shift_left3A_256 : vector<32x512xi32>
        %shift_right_logical3A_258 = arith.constant 6 : i32
        %shift_right_logical3A_259 = vector.broadcast %shift_right_logical3A_258 : i32 to vector<32x512xi32>
        %shift_right_logical3A_260 = arith.shrui %xor3A_253, %shift_right_logical3A_259 : vector<32x512xi32>
        %or3A_261 = arith.ori %shift_left3A_257, %shift_right_logical3A_260 : vector<32x512xi32>
        %xor3A_262 = arith.xori %add3A_254, %or3A_261 : vector<32x512xi32>
        %add3A_263 = arith.addi %add3A_254, %xor3A_262 : vector<32x512xi32>
        %shift_left3A_264 = arith.constant 6 : i32
        %shift_left3A_265 = vector.broadcast %shift_left3A_264 : i32 to vector<32x512xi32>
        %shift_left3A_266 = arith.shli %xor3A_262, %shift_left3A_265 : vector<32x512xi32>
        %shift_right_logical3A_267 = arith.constant 26 : i32
        %shift_right_logical3A_268 = vector.broadcast %shift_right_logical3A_267 : i32 to vector<32x512xi32>
        %shift_right_logical3A_269 = arith.shrui %xor3A_262, %shift_right_logical3A_268 : vector<32x512xi32>
        %or3A_270 = arith.ori %shift_left3A_266, %shift_right_logical3A_269 : vector<32x512xi32>
        %xor3A_271 = arith.xori %add3A_263, %or3A_270 : vector<32x512xi32>
        %add3A_272 = arith.constant 466689008 : i32
        %add3A_273 = vector.broadcast %add3A_272 : i32 to vector<32x512xi32>
        %add3A_274 = arith.addi %add3A_263, %add3A_273 : vector<32x512xi32>
        %add3A_275 = arith.constant 0 : i32
        %add3A_276 = vector.broadcast %add3A_275 : i32 to vector<32x512xi32>
        %add3A_277 = arith.addi %xor3A_271, %add3A_276 : vector<32x512xi32>
        %add3A_278 = arith.constant 5 : i32
        %add3A_279 = vector.broadcast %add3A_278 : i32 to vector<32x512xi32>
        %add3A_280 = arith.addi %add3A_277, %add3A_279 : vector<32x512xi32>
        %xor3A_281 = arith.xori %add3A_274, %add3A_280 : vector<32x512xi32>
        %shift_right_logical3A_282 = arith.constant 9 : i32
        %shift_right_logical3A_283 = vector.broadcast %shift_right_logical3A_282 : i32 to vector<32x512xi32>
        %shift_right_logical3A_284 = arith.shrui %xor3A_281, %shift_right_logical3A_283 : vector<32x512xi32>
        %or3A_285 = arith.constant 1065353216 : i32
        %or3A_286 = vector.broadcast %or3A_285 : i32 to vector<32x512xi32>
        %or3A_287 = arith.ori %shift_right_logical3A_284, %or3A_286 : vector<32x512xi32>
        %bitcast_convert_type3A = tpu.bitcast %or3A_287 : vector<32x512xi32> -> vector<32x512xf32>
        %sub3A = arith.constant 1.000000e+00 : f32
        %sub3A_288 = vector.broadcast %sub3A : f32 to vector<32x512xf32>
        %sub3A_289 = arith.subf %bitcast_convert_type3A, %sub3A_288 : vector<32x512xf32>
        %sub3A_290 = arith.constant 0.99999988 : f32
        %sub3A_291 = arith.constant 1.000000e-07 : f32
        %sub3A_292 = arith.subf %sub3A_290, %sub3A_291 : f32
        %mul3A_293 = vector.broadcast %sub3A_292 : f32 to vector<32x512xf32>
        %mul3A_294 = arith.mulf %sub3A_289, %mul3A_293 : vector<32x512xf32>
        %add3A_295 = arith.constant 1.000000e-07 : f32
        %add3A_296 = vector.broadcast %add3A_295 : f32 to vector<32x512xf32>
        %add3A_297 = arith.addf %mul3A_294, %add3A_296 : vector<32x512xf32>
        %max3A = arith.constant 1.000000e-07 : f32
        %max3A_298 = vector.broadcast %max3A : f32 to vector<32x512xf32>
        %max3A_299 = arith.maximumf %max3A_298, %add3A_297 : vector<32x512xf32>
        %log3A = math.log %max3A_299 : vector<32x512xf32>
        %neg3A = arith.constant 0.000000e+00 : f32
        %neg3A_300 = vector.broadcast %neg3A : f32 to vector<32x512xf32>
        %neg3A_301 = arith.subf %neg3A_300, %log3A : vector<32x512xf32>
        %log3A_302 = math.log %neg3A_301 : vector<32x512xf32>
        %neg3A_303 = arith.constant 0.000000e+00 : f32
        %neg3A_304 = vector.broadcast %neg3A_303 : f32 to vector<32x512xf32>
        %neg3A_305 = arith.subf %neg3A_304, %log3A_302 : vector<32x512xf32>
        %add3A_306 = arith.addf %get3A_51, %neg3A_305 : vector<32x512xf32>
        %lt3A_307 = arith.constant 1000000 : i32
        %lt3A_308 = vector.broadcast %lt3A_307 : i32 to vector<32x512xi32>
        %lt3A_309 = arith.cmpi slt, %add3A_45, %lt3A_308 : vector<32x512xi32>
        %jit3A_310 = arith.constant 0xFF800000 : f32
        %broadcast_in_dim3A_311 = vector.broadcast %jit3A_310 : f32 to vector<32x512xf32>
        %select_n3A_312 = arith.select %lt3A_309, %add3A_306, %broadcast_in_dim3A_311 : vector<32x512xi1>, vector<32x512xf32>
        %gt3A = arith.cmpf ogt, %select_n3A_312, %scan3A_39 : vector<32x512xf32>
        %select_n3A_313 = arith.select %gt3A, %select_n3A_312, %scan3A_39 : vector<32x512xi1>, vector<32x512xf32>
        %select_n3A_314 = arith.select %gt3A, %add3A_45, %scan3A_40 : vector<32x512xi1>, vector<32x512xi32>
        scf.yield %select_n3A_313, %select_n3A_314 : vector<32x512xf32>, vector<32x512xi32>
      }
      %scan3A_26 = arith.constant 64 : i32
      %reduce_max3A = arith.constant dense<0xFF800000> : vector<32xf32>
      %reduce_max3A_27 = vector.multi_reduction <maximumf>, %scan3A_25#0, %reduce_max3A [1] : vector<32x512xf32> to vector<32xf32>
      %broadcast_in_dim3A = vector.shape_cast %reduce_max3A_27 : vector<32xf32> to vector<32x1xf32>
      %eq3A_28 = vector.broadcast %broadcast_in_dim3A : vector<32x1xf32> to vector<32x512xf32>
      %eq3A_29 = arith.cmpf oeq, %scan3A_25#0, %eq3A_28 : vector<32x512xf32>
      %jit3A = arith.constant 2147483647 : i32
      %broadcast_in_dim3A_30 = vector.broadcast %jit3A : i32 to vector<32x512xi32>
      %select_n3A = arith.select %eq3A_29, %scan3A_25#1, %broadcast_in_dim3A_30 : vector<32x512xi1>, vector<32x512xi32>
      %reduce_min3A = arith.constant dense<2147483647> : vector<32xi32>
      %reduce_min3A_31 = vector.multi_reduction <minsi>, %select_n3A, %reduce_min3A [1] : vector<32x512xi32> to vector<32xi32>
      %broadcast_in_dim3A_32 = vector.shape_cast %reduce_min3A_31 : vector<32xi32> to vector<32x1xi32>
      %swap3A = arith.constant 0 : index
      %swap3A_33 = arith.constant 0 : index
      %swap3A_34 = vector.load %arg3[%swap3A, %swap3A_33] : memref<32x1xf32, #tpu.memory_space<vmem>>, vector<32x1xf32>
      tpu.vector_store %arg3[%swap3A, %swap3A_33], %broadcast_in_dim3A {strides = array<i32>} : memref<32x1xf32, #tpu.memory_space<vmem>>, vector<32x1xf32>,
      %swap3A_35 = arith.constant 0 : index
      %swap3A_36 = arith.constant 0 : index
      %swap3A_37 = vector.load %arg2[%swap3A_35, %swap3A_36] : memref<32x1xi32, #tpu.memory_space<vmem>>, vector<32x1xi32>
      tpu.vector_store %arg2[%swap3A_35, %swap3A_36], %broadcast_in_dim3A_32 {strides = array<i32>} : memref<32x1xi32, #tpu.memory_space<vmem>>, vector<32x1xi32>,
    } else {
    }
    return
  }
  func.func @transform_0(%arg0: i32) -> (i32, i32) {
    %add3A = arith.constant 6 : i32
    %add3A_0 = arith.addi %arg0, %add3A : i32
    %c0_i32 = arith.constant 0 : i32
    %c0_i32_1 = arith.constant 0 : i32
    return %c0_i32, %add3A_0 : i32, i32
  }
  func.func @transform_1(%arg0: i32) -> (i32, i32) {
    %c0_i32 = arith.constant 0 : i32
    %c0_i32_0 = arith.constant 0 : i32
    %c0_i32_1 = arith.constant 0 : i32
    return %c0_i32, %c0_i32_0 : i32, i32
  }
  func.func @transform_2(%arg0: i32) -> (i32, i32) {
    %c0_i32 = arith.constant 0 : i32
    %c0_i32_0 = arith.constant 0 : i32
    %c0_i32_1 = arith.constant 0 : i32
    return %c0_i32, %c0_i32_0 : i32, i32
  }
}

</mosaic_0001>

<sc_bundles>
// kernel: kernel.4.cloned.1.call-start
scs
__scs_entry_jumppad:
0x0: {  	(pc) =	sbr.rel $0x88, $3  }
0x1: {  	(tag) =	ssettag $0x0;
	lr =	simm.s32 $0x1  }
0x2: {  	[smem:$0x3FA0] =	sst lr;
	_ =	strace $0xD0000000  }
0x3: {  	_ = 	snop  }
0x4: {  	_ = 	snop  }
0x5: {  	_ = 	snop  }
0x6: {  	_ = 	snop  }
0x7: {  	_ = 	snop  }
__scs_overlays_trampoline_lowered:
0x8: {  	[smem:$0x3FAF] =	sst s0  }
0x9: {  	[smem:$0x3FB0] =	sst s1  }
0xa: {  	[smem:$0x3FB1] =	sst s2  }
0xb: {  	[smem:$0x3FB2] =	sst s3  }
0xc: {  	[smem:$0x3FB3] =	sst s4  }
0xd: {  	[smem:$0x3FB4] =	sst s5  }
0xe: {  	[smem:$0x3FB5] =	sst s6  }
0xf: {  	[smem:$0x3FB6] =	sst s7  }
0x10: {  	[smem:$0x3FB7] =	sst s8  }
0x11: {  	[smem:$0x3FB8] =	sst s9;
	s0 =	simm.s32 @!p0 $0x0  }
0x12: {  	s1 =	sld [smem:$0x3F9E];
	s0 =	simm.s32 @p0 $0x1  }
0x13: {  	[smem:$0x3FB9] =	sst s0;
	s0 =	simm.s32 @!p1 $0x0  }
0x14: {  	s2 =	sld [smem:$0x3F9D];
	s0 =	simm.s32 @p1 $0x1  }
0x15: {  	[smem:$0x3FBA] =	sst s0;
	s0 =	simm.s32 @!p2 $0x0  }
0x16: {  	s3 =	sld [smem:$0x3FDB];
	s0 =	simm.s32 @p2 $0x1  }
0x17: {  	s4 =	simm.s32 $0x1BF5;
	[smem:$0x3FBC] =	sst s0  }
0x18: {  	s0 =	sld [smem:$0x3F9F];
	_ =	swait.ge [sflag:s4], $0x0  }
0x19: {  	s7 =	sld [smem:$0x3FA0]  }
0x1a: {  	s8 =	sadd.s32 $0xFFFFE003, lr  }
0x1b: {  	s9 =	sadd.s32 $0xFFFFFEF7, lr;
	s5 =	simm.s32 $0xFFFFFFFF;
	p2 =	slt.u32 s8, $0xFFFFF086  }
0x1c: {  	p1 =	slt.u32 s9, $0xF7A;
	s5 =	simm.s32 @!p2 $0x0  }
0x1d: {  	s5 =	simm.s32 @p1 $0x1;
	p0 =	seq.s32 s7, s2  }
0x1e: {  	s7 =	smul.u32 @!p0 $0xF7A, s2;
	p2 =	seq.s32 @!p0 s5, $0x0  }
0x1f: {  	s9 =	smul.u32 $0xF7A, s1;
	s8 =	simm.s32 @!p0 $0x1BF5;
	p2 =	por !p2, p0  }
0x20: {  	[sflag:s8] =	ssyncset.s32 @!p0 $0xFFFFF086;
	s6 =	sadd.s32 @!p0 s3, s7;
	s7 =	simm.s32 @!p0 $0x108  }
0x21: {  	s3 =	sadd.s32 s3, s9;
	s6 =	sadd.s32 @!p0 $0x88, s6;
	s7 =	simm.s32 @p2 $0x1082  }
0x22: {  	[simem:s7], [sflag:s8] =	dma.local @!p0 [hbm:s6], $0xF7A  }
0x23: {  	s9 =	sor.u32 $0xD0000000, s2;
	s6 =	simm.s32 $0x108;
	_ =	swait.ge @!p0 [sflag:s8], $0x0  }
0x24: {  	s3 =	sadd.s32 $0x88, s3;
	s6 =	simm.s32 @!p1 $0x1082;
	[sflag:s4] =	ssyncset.s32 $0xFFFFF086  }
0x25: {  	[simem:s6], [sflag:s4] =	dma.local [hbm:s3], $0xF7A  }
0x26: {  	[smem:$0x3FA0] =	sst s1;
	(tag) =	ssettag s2;
	_ =	strace s9  }
0x27: {  	s1 =	sld [smem:$0x3FB0]  }
0x28: {  	s2 =	sld [smem:$0x3FB1]  }
0x29: {  	s4 =	sld [smem:$0x3FB3]  }
0x2a: {  	p0 =	seq.s32 s5, $0x0;
	s5 =	sld [smem:$0x3FB4]  }
0x2b: {  	s6 =	sld [smem:$0x3FB5]  }
0x2c: {  	s7 =	sld [smem:$0x3FB6]  }
0x2d: {  	s3 =	simm.s32 $0x108;
	s8 =	sld [smem:$0x3FB7]  }
0x2e: {  	s3 =	simm.s32 @!p0 $0x1082;
	s9 =	sld [smem:$0x3FB8]  }
0x2f: {  	lr =	sadd.s32 s0, s3;
	s0 =	sld [smem:$0x3FAF]  }
0x30: {  	s3 =	sld [smem:$0x3FB2]  }
0x31: {  	[smem:$0x3FBB] =	sst s10  }
0x32: {  	s10 =	sld [smem:$0x3FB9];
	_ =	sdelay $0x3  }
0x33: {  	p0 =	seq.s32 s10, $0x1;
	s10 =	sld [smem:$0x3FBB];
	_ =	sdelay $0x3  }
0x34: {  	[smem:$0x3FBB] =	sst s10  }
0x35: {  	s10 =	sld [smem:$0x3FBA];
	_ =	sdelay $0x3  }
0x36: {  	p1 =	seq.s32 s10, $0x1;
	s10 =	sld [smem:$0x3FBB];
	_ =	sdelay $0x3  }
0x37: {  	[smem:$0x3FBB] =	sst s10  }
0x38: {  	s10 =	sld [smem:$0x3FBC]  }
0x39: {  	_ = 	snop;
	(pc) =	sbr.ind lr, $3  }
0x3a: {  	_ = 	snop  }
0x3b: {  	_ = 	snop  }
0x3c: {  	p2 =	seq.s32 s10, $0x1;
	s10 =	sld [smem:$0x3FBB]  }
0x3d: {  	_ =	shalt  }
0x3e: {  	_ =	shalt  }
0x3f: {  	_ =	shalt  }
0x40: {  	_ =	shalt  }
0x41: {  	_ =	shalt  }
0x42: {  	_ =	shalt  }
0x43: {  	_ =	shalt  }
0x44: {  	_ =	shalt  }
0x45: {  	_ =	shalt  }
0x46: {  	_ =	shalt  }
0x47: {  	_ =	shalt  }
0x48: {  	_ =	shalt  }
0x49: {  	_ =	shalt  }
0x4a: {  	_ =	shalt  }
0x4b: {  	_ =	shalt  }
0x4c: {  	_ =	shalt  }
0x4d: {  	_ =	shalt  }
0x4e: {  	_ =	shalt  }
0x4f: {  	_ =	shalt  }
0x50: {  	_ =	shalt  }
0x51: {  	_ =	shalt  }
0x52: {  	_ =	shalt  }
0x53: {  	_ =	shalt  }
0x54: {  	_ =	shalt  }
0x55: {  	_ =	shalt  }
0x56: {  	_ =	shalt  }
0x57: {  	_ =	shalt  }
0x58: {  	_ =	shalt  }
0x59: {  	_ =	shalt  }
0x5a: {  	_ =	shalt  }
0x5b: {  	_ =	shalt  }
0x5c: {  	_ =	shalt  }
0x5d: {  	_ =	shalt  }
0x5e: {  	_ =	shalt  }
0x5f: {  	_ =	shalt  }
0x60: {  	_ =	shalt  }
0x61: {  	_ =	shalt  }
0x62: {  	_ =	shalt  }
0x63: {  	_ =	shalt  }
0x64: {  	_ =	shalt  }
0x65: {  	_ =	shalt  }
0x66: {  	_ =	shalt  }
0x67: {  	_ =	shalt  }
0x68: {  	_ =	shalt  }
0x69: {  	_ =	shalt  }
0x6a: {  	_ =	shalt  }
0x6b: {  	_ =	shalt  }
0x6c: {  	_ =	shalt  }
0x6d: {  	_ =	shalt  }
0x6e: {  	_ =	shalt  }
0x6f: {  	_ =	shalt  }
0x70: {  	_ =	shalt  }
0x71: {  	_ =	shalt  }
0x72: {  	_ =	shalt  }
0x73: {  	_ =	shalt  }
0x74: {  	_ =	shalt  }
0x75: {  	_ =	shalt  }
0x76: {  	_ =	shalt  }
0x77: {  	_ =	shalt  }
0x78: {  	_ =	shalt  }
0x79: {  	_ =	shalt  }
0x7a: {  	_ =	shalt  }
0x7b: {  	_ =	shalt  }
0x7c: {  	_ =	shalt  }
0x7d: {  	_ =	shalt  }
0x7e: {  	_ =	shalt  }
0x7f: {  	_ =	shalt  }
0x80: {  	_ =	shalt  }
0x81: {  	_ =	shalt  }
0x82: {  	_ =	shalt  }
0x83: {  	_ =	shalt  }
0x84: {  	_ =	shalt  }
0x85: {  	_ =	shalt  }
0x86: {  	_ =	shalt  }
0x87: {  	_ =	shalt  }
.Lfunc_end0:
.L_simem_size_0:
called_computation_lowered:
.L_overlay_start_0:
0x88: {  	s2 =	sld [smem:$0x3FD9]  }
0x89: {  	s3 =	sld [smem:$0x3FFE];
	_ =	sdelay $0x1  }
0x8a: {  	s1 =	srdreg.scid  }
0x8b: {  	s0 =	sand.u32 $0x1, s1  }
0x8c: {  	s16 =	sshll.u32 s0, $0xA;
	s2 =	sadd.s32 s3, s2  }
0x8d: {  	s2 =	sadd.s32 s2, s16  }
0x8e: {  	[smem:$0x3FC7] =	sst s2  }
0x8f: {  	_ = 	snop  }
0x90: {  	(tm) =	ssettm $0x1  }
0x91: {  	s17 =	sld [smem:$0x3FFB];
	_ =	sdelay $0x3  }
0x92: {  	_ =	strace s17  }
0x93: {  	s2 =	sld [smem:$0x3FFC];
	_ =	sdelay $0x3  }
0x94: {  	_ =	strace s2  }
0x95: {  	s2 =	sld [smem:$0x3FFD];
	_ =	sdelay $0x3  }
0x96: {  	_ =	strace s2  }
0x97: {  	_ =	strace $0x8FFFFFFF  }
0x98: {  	s18 =	sld [smem:$0x3FDB];
	_ =	sdelay $0x1  }
0x99: {  	s19 =	simm.s32 $_scs_section_size  }
0x9a: {  	s4 =	simm.s32 $_size__tile_overlayer_lowered;
	s5 =	simm.s32 $_tile_overlayer_lowered  }
0x9b: {  	s22 =	simm.s32 $0x1BFF;
	s21 =	sshll.u32 s5, $0x1;
	s2 =	sadd.s32 s19, s18  }
0x9c: {  	s6 =	simm.s32 $0x0;
	s20 =	sshll.u32 s4, $0x1;
	s4 =	sadd.s32 s21, s2  }
0x9d: {  	[timem:s6], [sflag:s22] =	dma.local [hbm:s4], s20  }
0x9e: {  	_ =	swait.ge [sflag:s22], s20  }
0x9f: {  	s3 =	ssub.s32 $0x0, s20;
	[sflag:s22] =	ssyncset.done $0x0  }
0xa0: {  	[sflag:s22] =	ssyncadd.s32 s3;
	_ =	sdelay $0x1  }
0xa1: {  	s23 =	simm.s32 $0x1B8B  }
0xa2: {  	_ =	swait.ge [sflag:s23], $0x1  }
0xa3: {  	[sflag:s23] =	ssyncset.done $0x0  }
0xa4: {  	s25 =	simm.s32 $0x1B8E;
	s24 =	sld [smem:$0x3FFE];
	[sflag:s23] =	ssyncadd.s32 $0xFFFFFFFF  }
0xa5: {  	s26 =	simm.s32 $execute0_lowered;
	[smem:$0x3FD2] =	sst s25  }
0xa6: {  	s4 =	sshll.u32 s26, $0x1;
	_ =	strace $0x80000046;
	[dreg:$0x1] =	wrdreg $0xFFFFFFFF  }
0xa7: {  	s28 =	simm.s32 $_size_execute0_lowered;
	s2 =	sadd.s32 s2, s4;
	[dreg:$0x0] =	wrdreg $0x0  }
0xa8: {  	s4 =	sshll.u32 s28, $0x1;
	[dreg:$0x2] =	wrdreg s2  }
0xa9: {  	[dreg:$0x3] =	wrdreg s4  }
0xaa: {  	[dreg:$0x4] =	wrdreg $0xC0  }
0xab: {  	_ =	task [dreg:s6], $0x5FFFF  }
0xac: {  	[dreg:$0x1] =	wrdreg $0xFFFFFFFF  }
0xad: {  	[dreg:$0x0] =	wrdreg $0x60  }
0xae: {  	[dreg:$0x2] =	wrdreg s24  }
0xaf: {  	[dreg:$0x3] =	wrdreg $0x9  }
0xb0: {  	_ =	task.clear_ibuf [dreg:s6], $0x4FFFF;
	_ =	strace $0x90000046  }
0xb1: {  	s29 =	simm.s32 $0x9;
	_ =	strace $0x80000048  }
0xb2: {  	_ =	swait.ge [sflag:s29], $0x1  }
0xb3: {  	[sflag:s29] =	ssyncadd.s32 $0xFFFFFFFF  }
0xb4: {  	_ =	strace $0x90000048  }
0xb5: {  	_ =	sfence  }
0xb6: {  	s30 =	sld [smem:$0x0];
	_ =	sdelay $0x2  }
0xb7: {  	s31 =	sshll.u32 s1, $0xD;
	s1 =	sshrl.u32 s1, $0x2  }
0xb8: {  	s3 =	sand.u32 $0x4000, s31;
	s1 =	sadd.s32 s1, s30  }
0xb9: {  	s0 =	sor.u32 s3, s0;
	s1 =	sshll.u32 s1, $0x11  }
0xba: {  	s0 =	sor.u32 s1, s0  }
0xbb: {  	s0 =	sadd.s32 $0x8F2B, s0  }
0xbc: {  	[sflag:s0] =	ssyncadd.remote.s32 $0x1  }
0xbd: {  	_ =	sfence.sel $0xFFFF  }
0xbe: {  	[dreg:$0x0] =	wrdreg $0xFFFFFFFF;
	(pc) =	sbr.abs _section_cstart, $3  }
0xbf: {  	[dreg:$0x1] =	wrdreg $0xFFFFFFFF  }
0xc0: {  	_ =	task.clear_ibuf [dreg:s6], $0x2FFFF;
	_ =	strace $0x9FFFFFFF  }
0xc1: {  	(tm) =	ssettm $0x7FFFFFFF  }
tec
execute0_lowered:
.L_overlay_start_1:
0x0: {  	(tag) =	ssettag $0x1  }
0x1: {  	s2 =	rddreg [dreg:$0x0]  }
0x2: {  	s4 =	srdreg.scid;
	s1 =	stileid.u32  }
0x3: {  	s0 =	rddreg [dreg:$0x1];
	s4 =	sand.u32 $0x1, s4;
	s5 =	sshll.u32 s1, $0x1  }
0x4: {  	s3 =	simm.s32 $0x0;
	s9 =	simm.s32 $0x1000;
	s5 =	sor.u32 s4, s5  }
0x5: {  	s10 =	simm.s32 $0x1010;
	s11 =	simm.s32 $0x0;
	s7 =	smul.u32 $0xF4240, s5  }
0x6: {  	[smem:$0x7FF] =	sst s3;
	s4 =	ssub.s32 $0x2, s4;
	s6 =	sshll.u32 s5, $0x1  }
0x7: {  	_ =	strace $0x80000047;
	s8 =	sshrl.u32 s4, $0x1;
	s6 =	sadd.s32 s6, s2;
	v0 =	vmov s7  }
0x8: {  	s8 =	ssub.s32 s4, s8;
	s4 =	smul.u32 $0x30000, s5;
	s5 =	sadd.s32 $0xC0000, s6;
	v1 =	vor.u32 $0x2A, v0;
	v0 =	vlaneseq.u32  }
0x9: {  	v3 =	vimm.s32 $0x0;
	s6 =	sadd.s32 $0xC0200, s6;
	s7 =	smax.u32 s8, $0x1;
	s8 =	simm.s32 $0x1;
	v1 =	vbroadcast v1, $0x0;
	v2 =	vor.u32 $0x10, v0  }
.LBB2_1:
0xa: {  	v5 =	vimm.f32 $-Inf  }
0xb: {  	s12 =	simm.s32 $0x0;
	v4 =	vimm.s32 $0x0;
	v6 =	vimm.s32 $0x0;
	v7 =	vimm.f32 $-Inf;
	s13 =	simm.s32 $0x0  }
.LBB2_2:
0xc: {  	v9 =	vor.u32 s12, v0  }
0xd: {  	v8 =	vor.u32 s12, v2;
	v10 =	vadd.s32 v9, v1  }
0xe: {  	v11 =	vadd.s32 v8, v1;
	v12 =	vshrl.u32 v10, $0x13  }
0xf: {  	v13 =	vshll.u32 v10, $0xD;
	v14 =	vshrl.u32 v11, $0x13;
	v15 =	vshll.u32 v11, $0xD  }
0x10: {  	v12 =	vor.u32 v12, v13;
	v13 =	vor.u32 v14, v15  }
0x11: {  	v12 =	vxor.u32 v10, v12;
	v13 =	vxor.u32 v11, v13  }
0x12: {  	v10 =	vadd.s32 v10, v12;
	v14 =	vshrl.u32 v12, $0x11;
	v12 =	vshll.u32 v12, $0xF  }
0x13: {  	v15 =	vshrl.u32 v13, $0x11;
	v16 =	vshll.u32 v13, $0xF;
	v12 =	vor.u32 v14, v12  }
0x14: {  	v11 =	vadd.s32 v11, v13;
	v13 =	vor.u32 v15, v16;
	v12 =	vxor.u32 v12, v10  }
0x15: {  	v13 =	vxor.u32 v13, v11;
	v10 =	vadd.s32 v10, v12;
	v14 =	vshrl.u32 v12, $0x6  }
0x16: {  	v12 =	vshll.u32 v12, $0x1A;
	v15 =	vshrl.u32 v13, $0x6;
	v16 =	vshll.u32 v13, $0x1A  }
0x17: {  	v11 =	vadd.s32 v11, v13;
	v12 =	vor.u32 v14, v12;
	v13 =	vor.u32 v15, v16  }
0x18: {  	v12 =	vxor.u32 v12, v10;
	v13 =	vxor.u32 v13, v11  }
0x19: {  	v10 =	vadd.s32 v10, v12;
	v14 =	vshrl.u32 v12, $0x1A;
	v12 =	vshll.u32 v12, $0x6  }
0x1a: {  	v15 =	vshrl.u32 v13, $0x1A;
	v16 =	vshll.u32 v13, $0x6;
	v12 =	vor.u32 v14, v12  }
0x1b: {  	v11 =	vadd.s32 v11, v13;
	v13 =	vor.u32 v15, v16;
	v12 =	vxor.u32 v12, v10  }
0x1c: {  	v13 =	vxor.u32 v13, v11;
	v12 =	vadd.s32 $0x1BD11BF1, v12  }
0x1d: {  	v13 =	vadd.s32 $0x1BD11BF1, v13;
	v10 =	vadd.s32 v12, v10  }
0x1e: {  	v14 =	vshrl.u32 v12, $0xF;
	v12 =	vshll.u32 v12, $0x11;
	v11 =	vadd.s32 v13, v11  }
0x1f: {  	v15 =	vshrl.u32 v13, $0xF;
	v13 =	vshll.u32 v13, $0x11;
	v10 =	vadd.s32 $0x2A, v10  }
0x20: {  	v12 =	vor.u32 v14, v12;
	v11 =	vadd.s32 $0x2A, v11;
	v13 =	vor.u32 v15, v13  }
0x21: {  	v12 =	vxor.u32 v12, v10;
	v13 =	vxor.u32 v13, v11  }
0x22: {  	v10 =	vadd.s32 v10, v12;
	v14 =	vshrl.u32 v12, $0x3;
	v12 =	vshll.u32 v12, $0x1D  }
0x23: {  	v15 =	vshrl.u32 v13, $0x3;
	v16 =	vshll.u32 v13, $0x1D;
	v12 =	vor.u32 v14, v12  }
0x24: {  	v11 =	vadd.s32 v11, v13;
	v13 =	vor.u32 v15, v16;
	v12 =	vxor.u32 v12, v10  }
0x25: {  	v13 =	vxor.u32 v13, v11;
	v10 =	vadd.s32 v10, v12;
	v14 =	vshrl.u32 v12, $0x10  }
0x26: {  	v12 =	vshll.u32 v12, $0x10;
	v15 =	vshrl.u32 v13, $0x10;
	v16 =	vshll.u32 v13, $0x10  }
0x27: {  	v11 =	vadd.s32 v11, v13;
	v12 =	vor.u32 v14, v12;
	v13 =	vor.u32 v15, v16  }
0x28: {  	v12 =	vxor.u32 v12, v10;
	v13 =	vxor.u32 v13, v11  }
0x29: {  	v10 =	vadd.s32 v10, v12;
	v14 =	vshrl.u32 v12, $0x8;
	v12 =	vshll.u32 v12, $0x18  }
0x2a: {  	v15 =	vshrl.u32 v13, $0x8;
	v16 =	vshll.u32 v13, $0x18;
	v12 =	vor.u32 v14, v12  }
0x2b: {  	v11 =	vadd.s32 v11, v13;
	v13 =	vor.u32 v15, v16;
	v12 =	vxor.u32 v12, v10  }
0x2c: {  	v13 =	vxor.u32 v13, v11;
	v12 =	vadd.s32 $0x2, v12  }
0x2d: {  	v13 =	vadd.s32 $0x2, v13;
	v10 =	vadd.s32 v12, v10;
	v14 =	vshrl.u32 v12, $0x13  }
0x2e: {  	v12 =	vshll.u32 v12, $0xD;
	v11 =	vadd.s32 v13, v11;
	v15 =	vshrl.u32 v13, $0x13  }
0x2f: {  	v13 =	vshll.u32 v13, $0xD;
	v10 =	vadd.s32 $0x1BD11BF0, v10;
	v12 =	vor.u32 v14, v12  }
0x30: {  	v11 =	vadd.s32 $0x1BD11BF0, v11;
	v13 =	vor.u32 v15, v13;
	v12 =	vxor.u32 v12, v10  }
0x31: {  	v13 =	vxor.u32 v13, v11;
	v14 =	vshrl.u32 v12, $0x11;
	v15 =	vshll.u32 v12, $0xF  }
0x32: {  	v10 =	vadd.s32 v10, v12;
	v12 =	vshrl.u32 v13, $0x11;
	v14 =	vor.u32 v14, v15  }
0x33: {  	v11 =	vadd.s32 v11, v13;
	v15 =	vshll.u32 v13, $0xF;
	v13 =	vxor.u32 v14, v10  }
0x34: {  	v12 =	vor.u32 v12, v15;
	v14 =	vshrl.u32 v13, $0x6;
	v15 =	vshll.u32 v13, $0x1A  }
0x35: {  	v12 =	vxor.u32 v12, v11;
	v10 =	vadd.s32 v10, v13;
	v13 =	vor.u32 v14, v15  }
0x36: {  	v14 =	vshrl.u32 v12, $0x6;
	v15 =	vshll.u32 v12, $0x1A;
	v13 =	vxor.u32 v13, v10  }
0x37: {  	v11 =	vadd.s32 v11, v12;
	v12 =	vor.u32 v14, v15;
	v14 =	vadd.s32 v10, v13  }
0x38: {  	v10 =	vshrl.u32 v13, $0x1A;
	v12 =	vxor.u32 v12, v11;
	v13 =	vshll.u32 v13, $0x6  }
0x39: {  	v15 =	vshrl.u32 v12, $0x1A;
	v16 =	vshll.u32 v12, $0x6;
	v10 =	vor.u32 v10, v13  }
0x3a: {  	s16 =	sadd.s32 $0x20, s12;
	v12 =	vadd.s32 v11, v12;
	v13 =	vxor.u32 v10, v14;
	v11 =	vor.u32 v15, v16  }
0x3b: {  	v10 =	vor.u32 s16, v0;
	v15 =	vxor.u32 v11, v12;
	v13 =	vadd.s32 $0x2D, v13  }
0x3c: {  	v11 =	vor.u32 s16, v2;
	v16 =	vshrl.u32 v13, $0xF;
	v17 =	vshll.u32 v13, $0x11  }
0x3d: {  	v15 =	vadd.s32 $0x2D, v15;
	v13 =	vadd.s32 v14, v13;
	v14 =	vor.u32 v16, v17  }
0x3e: {  	v16 =	vshrl.u32 v15, $0xF;
	v17 =	vshll.u32 v15, $0x11;
	v14 =	vxor.u32 v14, v13  }
0x3f: {  	v12 =	vadd.s32 v12, v15;
	v15 =	vor.u32 v16, v17;
	v13 =	vadd.s32 v13, v14  }
0x40: {  	v15 =	vxor.u32 v15, v12;
	v16 =	vshrl.u32 v14, $0x3;
	v14 =	vshll.u32 v14, $0x1D  }
0x41: {  	v17 =	vshrl.u32 v15, $0x3;
	v18 =	vshll.u32 v15, $0x1D;
	v14 =	vor.u32 v16, v14  }
0x42: {  	v12 =	vadd.s32 v12, v15;
	v15 =	vor.u32 v17, v18;
	v14 =	vxor.u32 v14, v13  }
0x43: {  	v15 =	vxor.u32 v15, v12;
	v13 =	vadd.s32 v13, v14;
	v16 =	vshrl.u32 v14, $0x10  }
0x44: {  	v14 =	vshll.u32 v14, $0x10;
	v17 =	vshrl.u32 v15, $0x10;
	v18 =	vshll.u32 v15, $0x10  }
0x45: {  	v14 =	vor.u32 v16, v14;
	v12 =	vadd.s32 v12, v15;
	v15 =	vor.u32 v17, v18  }
0x46: {  	v16 =	vadd.s32 v10, v1;
	v14 =	vxor.u32 v14, v13;
	v15 =	vxor.u32 v15, v12  }
0x47: {  	v13 =	vadd.s32 v13, v14;
	v17 =	vshrl.u32 v14, $0x8;
	v14 =	vshll.u32 v14, $0x18  }
0x48: {  	v14 =	vor.u32 v17, v14;
	v17 =	vshrl.u32 v15, $0x8;
	v18 =	vshll.u32 v15, $0x18  }
0x49: {  	v12 =	vadd.s32 v12, v15;
	v15 =	vor.u32 v17, v18;
	v14 =	vxor.u32 v14, v13  }
0x4a: {  	v17 =	vadd.s32 v11, v1;
	v14 =	vadd.s32 $0x1BD11BF4, v14;
	v15 =	vxor.u32 v15, v12  }
0x4b: {  	v18 =	vshrl.u32 v16, $0x13;
	v13 =	vadd.s32 v14, v13;
	v15 =	vadd.s32 $0x1BD11BF4, v15  }
0x4c: {  	v19 =	vshrl.u32 v14, $0x13;
	v14 =	vshll.u32 v14, $0xD;
	v12 =	vadd.s32 v15, v12  }
0x4d: {  	v13 =	vadd.s32 $0x2A, v13;
	v20 =	vshrl.u32 v15, $0x13;
	v15 =	vshll.u32 v15, $0xD  }
0x4e: {  	v14 =	vor.u32 v19, v14;
	v12 =	vadd.s32 $0x2A, v12;
	v15 =	vor.u32 v20, v15  }
0x4f: {  	v19 =	vshll.u32 v16, $0xD;
	v14 =	vxor.u32 v14, v13;
	v15 =	vxor.u32 v15, v12  }
0x50: {  	v13 =	vadd.s32 v13, v14;
	v20 =	vshrl.u32 v14, $0x11;
	v14 =	vshll.u32 v14, $0xF  }
0x51: {  	v14 =	vor.u32 v20, v14;
	v20 =	vshrl.u32 v15, $0x11;
	v21 =	vshll.u32 v15, $0xF  }
0x52: {  	v12 =	vadd.s32 v12, v15;
	v14 =	vxor.u32 v14, v13;
	v15 =	vor.u32 v20, v21  }
0x53: {  	v13 =	vadd.s32 v13, v14;
	v20 =	vshrl.u32 v14, $0x6;
	v15 =	vxor.u32 v15, v12  }
0x54: {  	v14 =	vshll.u32 v14, $0x1A;
	v46 =	vshrl.u32 v15, $0x6;
	v22 =	vshll.u32 v15, $0x1A  }
0x55: {  	v14 =	vor.u32 v20, v14;
	v12 =	vadd.s32 v12, v15;
	v15 =	vor.u32 v46, v22  }
0x56: {  	v20 =	vshrl.u32 v17, $0x13;
	v14 =	vxor.u32 v14, v13;
	v15 =	vxor.u32 v15, v12  }
0x57: {  	v13 =	vadd.s32 v13, v14;
	v47 =	vshrl.u32 v14, $0x1A;
	v14 =	vshll.u32 v14, $0x6  }
0x58: {  	v14 =	vor.u32 v47, v14;
	v48 =	vshrl.u32 v15, $0x1A;
	v49 =	vshll.u32 v15, $0x6  }
0x59: {  	v12 =	vadd.s32 v12, v15;
	v14 =	vxor.u32 v14, v13;
	v15 =	vor.u32 v48, v49  }
0x5a: {  	v13 =	vadd.s32 $0x1BD11BF0, v13;
	v14 =	vadd.s32 $0x5, v14;
	v15 =	vxor.u32 v15, v12  }
0x5b: {  	v12 =	vadd.s32 $0x1BD11BF0, v12;
	v13 =	vxor.u32 v13, v14;
	v14 =	vadd.s32 $0x5, v15  }
0x5c: {  	v15 =	vshll.u32 v17, $0xD;
	v13 =	vshrl.u32 v13, $0x9;
	v12 =	vxor.u32 v12, v14  }
0x5d: {  	v14 =	vor.u32 v18, v19;
	v13 =	vor.u32 $0x3F800000, v13;
	v12 =	vshrl.u32 v12, $0x9  }
0x5e: {  	v15 =	vor.u32 v20, v15;
	v13 =	vadd.f32 $-1.000000000e+00, v13;
	v12 =	vor.u32 $0x3F800000, v12  }
0x5f: {  	v14 =	vxor.u32 v16, v14;
	v15 =	vxor.u32 v17, v15;
	v12 =	vadd.f32 $-1.000000000e+00, v12  }
0x60: {  	v16 =	vadd.s32 v16, v14;
	v17 =	vadd.s32 v17, v15;
	v13 =	vmul.f32 $9.999997610e-01, v13  }
0x61: {  	v18 =	vshrl.u32 v14, $0x11;
	v14 =	vshll.u32 v14, $0xF;
	v12 =	vmul.f32 $9.999997610e-01, v12  }
0x62: {  	v19 =	vshrl.u32 v15, $0x11;
	v15 =	vshll.u32 v15, $0xF;
	v13 =	vadd.f32 $1.000000010e-07, v13  }
0x63: {  	v14 =	vor.u32 v18, v14;
	v15 =	vor.u32 v19, v15;
	v12 =	vadd.f32 $1.000000010e-07, v12  }
0x64: {  	v14 =	vxor.u32 v14, v16;
	v15 =	vxor.u32 v15, v17;
	v13 =	vmax.f32 v13, $1.000000010e-07  }
0x65: {  	v16 =	vadd.s32 v16, v14;
	v18 =	vand.u32 $0x7FFFFF, v13;
	v12 =	vmax.f32 v12, $1.000000010e-07  }
0x66: {  	s14 =	sshll.u32 s13, $0xC;
	v17 =	vadd.s32 v17, v15;
	v18 =	vor.u32 $0x3F800000, v18;
	v19 =	vand.u32 $0x7FFFFF, v12  }
0x67: {  	s14 =	sadd.s32 s4, s14;
	v20 =	vshrl.u32 v14, $0x6;
	v50 =	vmul.f32 $5.000000000e-01, v18;
	v19 =	vor.u32 $0x3F800000, v19  }
0x68: {  	s14 =	sshrl.u32 s14, $0x3;
	v14 =	vshll.u32 v14, $0x1A;
	vm0 =	vgt.f32 v18, $1.414213540e+00;
	v51 =	vmul.f32 $5.000000000e-01, v19  }
0x69: {  	s15 =	sadd.s32 s2, s14;
	s14 =	simm.s32 $0x0;
	v14 =	vor.u32 v20, v14;
	vm1 =	vgt.f32 v19, $1.414213540e+00;
	v18 =	vsel vm0, v50, v18  }
0x6a: {  	[tilespmem:s14], [sflag:$0x1] =	stream.linear.gather [hbm4b:s15+s14], $0x1000, $0x38;
	v14 =	vxor.u32 v14, v16;
	v21 =	vadd.f32 $1.000000000e+00, v18;
	v19 =	vsel vm1, v51, v19;
	[tilespmem:$0x1020] =	vst v63  }
0x6b: {  	_ =	swait.ge [sflag:s8], $0x1000;
	v23 =	vshrl.u32 v15, $0x6;
	v16 =	vadd.s32 v16, v14;
	v20 =	vadd.f32 $1.000000000e+00, v19  }
0x6c: {  	v52 =	vshrl.u32 v14, $0x1A;
	v14 =	vshll.u32 v14, $0x6;
	(erf) = vrcp.f32 v21  }
0x6d: {  	v15 =	vshll.u32 v15, $0x1A;
	v14 =	vor.u32 v52, v14;
	(erf) = vrcp.f32 v20  }
0x6e: {  	v15 =	vor.u32 v23, v15;
	v14 =	vxor.u32 v14, v16  }
0x6f: {  	v15 =	vxor.u32 v15, v17;
	v14 =	vadd.s32 $0x1BD11BF1, v14  }
0x70: {  	v53 =	vshll.u32 v15, $0x6;
	v13 =	vshrl.u32 v13, $0x17;
	v16 =	vadd.s32 v14, v16  }
0x71: {  	v16 =	vadd.s32 $0x2A, v16;
	v20 =	vshrl.u32 v15, $0x1A;
	v15 =	vadd.s32 v17, v15  }
0x72: {  	v17 =	vor.u32 v20, v53;
	v20 =	vshrl.u32 v14, $0xF;
	v14 =	vshll.u32 v14, $0x11  }
0x73: {  	v18 =	vadd.f32 $-1.000000000e+00, v18;
	v17 =	vxor.u32 v17, v15;
	v14 =	vor.u32 v20, v14  }
0x74: {  	v19 =	vadd.f32 $-1.000000000e+00, v19;
	v17 =	vadd.s32 $0x1BD11BF1, v17;
	v14 =	vxor.u32 v14, v16  }
0x75: {  	v15 =	vadd.s32 v17, v15;
	v54 =	vshrl.u32 v17, $0xF;
	v17 =	vshll.u32 v17, $0x11;
	v20 =	vpop (erf)  }
0x76: {  	v15 =	vadd.s32 $0x2A, v15;
	v17 =	vor.u32 v54, v17;
	v18 =	vmul.f32 v20, v18;
	v20 =	vpop (erf)  }
0x77: {  	v16 =	vadd.s32 v16, v14;
	v17 =	vxor.u32 v17, v15;
	v19 =	vmul.f32 v20, v19  }
0x78: {  	v15 =	vadd.s32 v15, v17;
	v56 =	vshrl.u32 v17, $0x3;
	v55 =	vmul.f32 v18, v18  }
0x79: {  	v20 =	vshrl.u32 v14, $0x3;
	v14 =	vshll.u32 v14, $0x1D;
	v57 =	vmul.f32 v19, v19  }
0x7a: {  	v17 =	vshll.u32 v17, $0x1D;
	v14 =	vor.u32 v20, v14;
	v20 =	vmul.f32 $1.428571490e-01, v55  }
0x7b: {  	v12 =	vshrl.u32 v12, $0x17;
	v17 =	vor.u32 v56, v17;
	v58 =	vmul.f32 $1.428571490e-01, v57  }
0x7c: {  	v61 =	vsel vm0, $0x1, v3;
	v17 =	vxor.u32 v17, v15;
	v20 =	vadd.f32 $2.000000030e-01, v20  }
0x7d: {  	v13 =	vadd.s32 v61, v13;
	v15 =	vadd.s32 v15, v17;
	v22 =	vadd.f32 $2.000000030e-01, v58  }
0x7e: {  	v25 =	vshrl.u32 v17, $0x10;
	v17 =	vshll.u32 v17, $0x10;
	v20 =	vmul.f32 v20, v55  }
0x7f: {  	v62 =	vsel vm1, $0x1, v3;
	v17 =	vor.u32 v25, v17;
	v22 =	vmul.f32 v22, v57  }
0x80: {  	v13 =	vadd.s32 $0xFFFFFF81, v13;
	v17 =	vxor.u32 v17, v15;
	v20 =	vadd.f32 $3.333333430e-01, v20  }
0x81: {  	v12 =	vadd.s32 v62, v12;
	v59 =	vadd.s32 v15, v17;
	v15 =	vadd.f32 $3.333333430e-01, v22  }
0x82: {  	v12 =	vadd.s32 $0xFFFFFF81, v12;
	v14 =	vxor.u32 v14, v16;
	v20 =	vmul.f32 v20, v55  }
0x83: {  	v12 =	vcvt.s32.f32 v12;
	v16 =	vadd.s32 v16, v14;
	v15 =	vmul.f32 v15, v57  }
0x84: {  	v24 =	vshrl.u32 v14, $0x10;
	v14 =	vshll.u32 v14, $0x10;
	v20 =	vmul.f32 v20, v18  }
0x85: {  	v13 =	vcvt.s32.f32 v13;
	v14 =	vor.u32 v24, v14;
	v15 =	vmul.f32 v15, v19  }
0x86: {  	v63 =	vmul.f32 $1.428606770e-06, v12;
	v14 =	vxor.u32 v14, v16;
	v18 =	vadd.f32 v20, v18  }
0x87: {  	v12 =	vmul.f32 $6.931457510e-01, v12;
	v16 =	vadd.s32 v16, v14;
	v15 =	vadd.f32 v15, v19  }
0x88: {  	v60 =	vshrl.u32 v14, $0x8;
	v20 =	vmul.f32 $1.428606770e-06, v13;
	v18 =	vadd.f32 v18, v18  }
0x89: {  	v14 =	vshll.u32 v14, $0x18;
	v13 =	vmul.f32 $6.931457510e-01, v13;
	v15 =	vadd.f32 v15, v15  }
0x8a: {  	v19 =	vshrl.u32 v17, $0x8;
	v17 =	vshll.u32 v17, $0x18;
	v18 =	vadd.f32 v18, v20  }
0x8b: {  	v14 =	vor.u32 v60, v14;
	v17 =	vor.u32 v19, v17;
	v15 =	vadd.f32 v15, v63  }
0x8c: {  	v14 =	vxor.u32 v14, v16;
	v17 =	vxor.u32 v17, v59;
	v13 =	vadd.f32 v18, v13  }
0x8d: {  	v18 =	vadd.s32 $0x2, v14;
	v14 =	vadd.s32 $0x2, v17;
	v19 =	vadd.f32 v15, v12  }
0x8e: {  	[sflag:s8] =	ssyncset.done $0x0;
	v17 =	vadd.s32 v18, v16;
	v15 =	vshrl.u32 v18, $0x13;
	v12 =	vsub.f32 $0.0e+00, v13  }
0x8f: {  	s17 =	simm.s32 $0x100;
	s15 =	simm.s32 $0x80;
	[sflag:s8] =	ssyncadd.s32 $0xFFFFF000;
	v18 =	vshll.u32 v18, $0xD;
	v16 =	vadd.s32 v14, v59;
	v13 =	vsub.f32 $0.0e+00, v19  }
.LBB2_3:
0x90: {  	p0 =	sne.s32 s17, $0x3F80;
	v19 =	vshrl.u32 v14, $0x13;
	v14 =	vshll.u32 v14, $0xD;
	v20 =	vand.u32 $0x7FFFFF, v12  }
0x91: {  	v17 =	vadd.s32 $0x1BD11BF0, v17;
	v20 =	vor.u32 $0x3F800000, v20;
	v21 =	vand.u32 $0x7FFFFF, v13  }
0x92: {  	v15 =	vor.u32 v15, v18;
	v18 =	vmul.f32 $5.000000000e-01, v20;
	v21 =	vor.u32 $0x3F800000, v21  }
0x93: {  	v16 =	vadd.s32 $0x1BD11BF0, v16;
	vm0 =	vgt.f32 v20, $1.414213540e+00;
	v22 =	vmul.f32 $5.000000000e-01, v21  }
0x94: {  	v14 =	vor.u32 v19, v14;
	vm1 =	vgt.f32 v21, $1.414213540e+00;
	v18 =	vsel vm0, v18, v20  }
0x95: {  	v15 =	vxor.u32 v15, v17;
	v19 =	vadd.f32 $1.000000000e+00, v18;
	v20 =	vsel vm1, v22, v21  }
0x96: {  	v17 =	vadd.s32 v17, v15;
	v14 =	vxor.u32 v14, v16;
	v21 =	vadd.f32 $1.000000000e+00, v20  }
0x97: {  	v22 =	vshrl.u32 v15, $0x11;
	v15 =	vshll.u32 v15, $0xF;
	(erf) = vrcp.f32 v19  }
0x98: {  	v23 =	vshll.u32 v14, $0xF;
	v19 =	vshrl.u32 v14, $0x11;
	(erf) = vrcp.f32 v21  }
0x99: {  	s16 =	sadd.s32 $0x20, s16;
	v16 =	vadd.s32 v16, v14;
	v15 =	vor.u32 v22, v15;
	v19 =	vor.u32 v19, v23  }
0x9a: {  	v14 =	vor.u32 s16, v0;
	v15 =	vxor.u32 v15, v17;
	v19 =	vxor.u32 v19, v16  }
0x9b: {  	v17 =	vadd.s32 v17, v15;
	v21 =	vshrl.u32 v15, $0x6;
	v15 =	vshll.u32 v15, $0x1A  }
0x9c: {  	v15 =	vor.u32 v21, v15;
	v21 =	vshrl.u32 v19, $0x6;
	v22 =	vshll.u32 v19, $0x1A  }
0x9d: {  	v15 =	vxor.u32 v15, v17;
	v16 =	vadd.s32 v16, v19;
	v19 =	vor.u32 v21, v22  }
0x9e: {  	v17 =	vadd.s32 v17, v15;
	v24 =	vshrl.u32 v15, $0x1A;
	v19 =	vxor.u32 v19, v16  }
0x9f: {  	v15 =	vshll.u32 v15, $0x6;
	v22 =	vshrl.u32 v19, $0x1A;
	v23 =	vshll.u32 v19, $0x6  }
0xa0: {  	v18 =	vadd.f32 $-1.000000000e+00, v18;
	v20 =	vadd.f32 $-1.000000000e+00, v20;
	v15 =	vor.u32 v24, v15;
	v21 =	vpop (erf)  }
0xa1: {  	v24 =	vxor.u32 v15, v17;
	v16 =	vadd.s32 v16, v19;
	v15 =	vor.u32 v22, v23;
	v19 =	vpop (erf)  }
0xa2: {  	v22 =	vxor.u32 v15, v16;
	v18 =	vmul.f32 v21, v18;
	v19 =	vmul.f32 v19, v20  }
0xa3: {  	v15 =	vor.u32 s16, v2;
	v21 =	vadd.s32 $0x2D, v22;
	v20 =	vadd.s32 $0x2D, v24  }
0xa4: {  	v17 =	vadd.s32 v17, v20;
	v22 =	vmul.f32 v18, v18;
	v23 =	vmul.f32 v19, v19  }
0xa5: {  	v25 =	vshrl.u32 v21, $0xF;
	v24 =	vshrl.u32 v20, $0xF;
	v20 =	vshll.u32 v20, $0x11  }
0xa6: {  	v26 =	vshll.u32 v21, $0x11;
	v27 =	vmul.f32 $1.428571490e-01, v22;
	v28 =	vmul.f32 $1.428571490e-01, v23  }
0xa7: {  	v21 =	vadd.s32 v16, v21;
	v20 =	vor.u32 v24, v20;
	v24 =	vor.u32 v25, v26  }
0xa8: {  	v20 =	vxor.u32 v20, v17;
	v25 =	vadd.f32 $2.000000030e-01, v27;
	v26 =	vadd.f32 $2.000000030e-01, v28  }
0xa9: {  	v16 =	vadd.s32 v14, v1;
	v24 =	vxor.u32 v24, v21;
	v17 =	vadd.s32 v17, v20  }
0xaa: {  	v21 =	vadd.s32 v21, v24;
	v25 =	vmul.f32 v25, v22;
	v26 =	vmul.f32 v26, v23  }
0xab: {  	v27 =	vshrl.u32 v20, $0x3;
	v20 =	vshll.u32 v20, $0x1D;
	v28 =	vshrl.u32 v24, $0x3  }
0xac: {  	v24 =	vshll.u32 v24, $0x1D;
	v25 =	vadd.f32 $3.333333430e-01, v25;
	v26 =	vadd.f32 $3.333333430e-01, v26  }
0xad: {  	v12 =	vshra.s32 v12, $0x17;
	v13 =	vshra.s32 v13, $0x17;
	v29 =	vsel vm0, $0x1, v3  }
0xae: {  	v22 =	vmul.f32 v25, v22;
	v25 =	vsel vm1, $0x1, v3;
	v23 =	vmul.f32 v26, v23  }
0xaf: {  	v12 =	vadd.s32 v29, v12;
	v20 =	vor.u32 v27, v20;
	v13 =	vadd.s32 v25, v13  }
0xb0: {  	v12 =	vadd.s32 $0xFFFFFF81, v12;
	v22 =	vmul.f32 v22, v18;
	v23 =	vmul.f32 v23, v19  }
0xb1: {  	v12 =	vcvt.s32.f32 v12;
	v24 =	vor.u32 v28, v24;
	v13 =	vadd.s32 $0xFFFFFF81, v13  }
0xb2: {  	v13 =	vcvt.s32.f32 v13;
	v18 =	vadd.f32 v22, v18;
	v19 =	vadd.f32 v23, v19  }
0xb3: {  	v20 =	vxor.u32 v20, v17;
	v22 =	vxor.u32 v24, v21;
	v23 =	vmul.f32 $1.428606770e-06, v12  }
0xb4: {  	v24 =	vmul.f32 $1.428606770e-06, v13;
	v18 =	vadd.f32 v18, v18;
	v19 =	vadd.f32 v19, v19  }
0xb5: {  	s18 =	sshra.s32 s14, $0x2;
	s14 =	smov.u32 s15;
	s15 =	smov.u32 s17;
	v17 =	vadd.s32 v17, v20;
	v25 =	vshrl.u32 v20, $0x10;
	v12 =	vmul.f32 $6.931457510e-01, v12  }
0xb6: {  	v13 =	vmul.f32 $6.931457510e-01, v13;
	v18 =	vadd.f32 v18, v23;
	v26 =	vld [tilespmem:s18+$0x0];
	v19 =	vadd.f32 v19, v24  }
0xb7: {  	v20 =	vshll.u32 v20, $0x10;
	v23 =	vshrl.u32 v22, $0x10;
	v24 =	vshll.u32 v22, $0x10;
	v27 =	vld [tilespmem:s18+$0x10]  }
0xb8: {  	v20 =	vor.u32 v25, v20;
	v12 =	vadd.f32 v18, v12;
	v13 =	vadd.f32 v19, v13  }
0xb9: {  	v18 =	vxor.u32 v20, v17;
	v20 =	vor.u32 v23, v24;
	v19 =	vadd.s32 v21, v22  }
0xba: {  	v20 =	vxor.u32 v20, v19;
	v12 =	vsub.f32 $0.0e+00, v12;
	v13 =	vsub.f32 $0.0e+00, v13  }
0xbb: {  	v17 =	vadd.s32 v17, v18;
	v21 =	vshrl.u32 v18, $0x8;
	v19 =	vadd.s32 v19, v20  }
0xbc: {  	v18 =	vshll.u32 v18, $0x18;
	v12 =	vadd.f32 v26, v12;
	v13 =	vadd.f32 v27, v13  }
0xbd: {  	v18 =	vor.u32 v21, v18;
	v21 =	vshrl.u32 v20, $0x8;
	v20 =	vshll.u32 v20, $0x18  }
0xbe: {  	v20 =	vor.u32 v21, v20;
	vm1 =	vgt.f32 v12, v7;
	vm0 =	vgt.f32 v13, v5  }
0xbf: {  	v18 =	vxor.u32 v18, v17;
	v7 =	vsel vm1, v12, v7;
	v5 =	vsel vm0, v13, v5  }
0xc0: {  	v12 =	vadd.s32 v15, v1;
	v13 =	vadd.s32 $0x1BD11BF4, v18;
	v18 =	vxor.u32 v20, v19  }
0xc1: {  	v20 =	vshrl.u32 v16, $0x13;
	v17 =	vadd.s32 v13, v17;
	v18 =	vadd.s32 $0x1BD11BF4, v18  }
0xc2: {  	v21 =	vshrl.u32 v13, $0x13;
	v13 =	vshll.u32 v13, $0xD;
	v19 =	vadd.s32 v18, v19  }
0xc3: {  	v17 =	vadd.s32 $0x2A, v17;
	v22 =	vshrl.u32 v18, $0x13;
	v18 =	vshll.u32 v18, $0xD  }
0xc4: {  	v13 =	vor.u32 v21, v13;
	v19 =	vadd.s32 $0x2A, v19;
	v18 =	vor.u32 v22, v18  }
0xc5: {  	v21 =	vshll.u32 v16, $0xD;
	v13 =	vxor.u32 v13, v17;
	v18 =	vxor.u32 v18, v19  }
0xc6: {  	v17 =	vadd.s32 v17, v13;
	v22 =	vshrl.u32 v13, $0x11;
	v13 =	vshll.u32 v13, $0xF  }
0xc7: {  	v13 =	vor.u32 v22, v13;
	v22 =	vshrl.u32 v18, $0x11;
	v23 =	vshll.u32 v18, $0xF  }
0xc8: {  	v18 =	vadd.s32 v19, v18;
	v13 =	vxor.u32 v13, v17;
	v19 =	vor.u32 v22, v23  }
0xc9: {  	v17 =	vadd.s32 v17, v13;
	v22 =	vshrl.u32 v13, $0x6;
	v19 =	vxor.u32 v19, v18  }
0xca: {  	v13 =	vshll.u32 v13, $0x1A;
	v23 =	vshrl.u32 v19, $0x6;
	v24 =	vshll.u32 v19, $0x1A  }
0xcb: {  	v13 =	vor.u32 v22, v13;
	v18 =	vadd.s32 v18, v19;
	v19 =	vor.u32 v23, v24  }
0xcc: {  	v22 =	vshrl.u32 v12, $0x13;
	v13 =	vxor.u32 v13, v17;
	v19 =	vxor.u32 v19, v18  }
0xcd: {  	v17 =	vadd.s32 v17, v13;
	v23 =	vshrl.u32 v13, $0x1A;
	v13 =	vshll.u32 v13, $0x6  }
0xce: {  	v13 =	vor.u32 v23, v13;
	v23 =	vshrl.u32 v19, $0x1A;
	v24 =	vshll.u32 v19, $0x6  }
0xcf: {  	v18 =	vadd.s32 v18, v19;
	v13 =	vxor.u32 v13, v17;
	v19 =	vor.u32 v23, v24  }
0xd0: {  	v17 =	vadd.s32 $0x1BD11BF0, v17;
	v13 =	vadd.s32 $0x5, v13;
	v19 =	vxor.u32 v19, v18  }
0xd1: {  	v13 =	vxor.u32 v17, v13;
	v17 =	vadd.s32 $0x1BD11BF0, v18;
	v18 =	vadd.s32 $0x5, v19  }
0xd2: {  	v19 =	vshll.u32 v12, $0xD;
	v13 =	vshrl.u32 v13, $0x9;
	v17 =	vxor.u32 v17, v18  }
0xd3: {  	v18 =	vor.u32 v20, v21;
	v13 =	vor.u32 $0x3F800000, v13;
	v17 =	vshrl.u32 v17, $0x9  }
0xd4: {  	v19 =	vor.u32 v22, v19;
	v13 =	vadd.f32 $-1.000000000e+00, v13;
	v17 =	vor.u32 $0x3F800000, v17  }
0xd5: {  	v18 =	vxor.u32 v16, v18;
	v19 =	vxor.u32 v12, v19;
	v17 =	vadd.f32 $-1.000000000e+00, v17  }
0xd6: {  	v16 =	vadd.s32 v16, v18;
	v12 =	vadd.s32 v12, v19;
	v13 =	vmul.f32 $9.999997610e-01, v13  }
0xd7: {  	v20 =	vshrl.u32 v18, $0x11;
	v18 =	vshll.u32 v18, $0xF;
	v17 =	vmul.f32 $9.999997610e-01, v17  }
0xd8: {  	v21 =	vshrl.u32 v19, $0x11;
	v19 =	vshll.u32 v19, $0xF;
	v13 =	vadd.f32 $1.000000010e-07, v13  }
0xd9: {  	v18 =	vor.u32 v20, v18;
	v19 =	vor.u32 v21, v19;
	v17 =	vadd.f32 $1.000000010e-07, v17  }
0xda: {  	v18 =	vxor.u32 v18, v16;
	v19 =	vxor.u32 v19, v12;
	v13 =	vmax.f32 v13, $1.000000010e-07  }
0xdb: {  	v16 =	vadd.s32 v16, v18;
	v20 =	vand.u32 $0x7FFFFF, v13;
	v17 =	vmax.f32 v17, $1.000000010e-07  }
0xdc: {  	v12 =	vadd.s32 v12, v19;
	v20 =	vor.u32 $0x3F800000, v20;
	v21 =	vand.u32 $0x7FFFFF, v17  }
0xdd: {  	v22 =	vshrl.u32 v18, $0x6;
	v23 =	vmul.f32 $5.000000000e-01, v20;
	v21 =	vor.u32 $0x3F800000, v21  }
0xde: {  	v18 =	vshll.u32 v18, $0x1A;
	vm3 =	vgt.f32 v20, $1.414213540e+00;
	v24 =	vmul.f32 $5.000000000e-01, v21  }
0xdf: {  	v25 =	vshrl.u32 v19, $0x6;
	vm2 =	vgt.f32 v21, $1.414213540e+00;
	v20 =	vsel vm3, v23, v20  }
0xe0: {  	v19 =	vshll.u32 v19, $0x1A;
	v23 =	vadd.f32 $1.000000000e+00, v20;
	v21 =	vsel vm2, v24, v21  }
0xe1: {  	v18 =	vor.u32 v22, v18;
	v19 =	vor.u32 v25, v19;
	v22 =	vadd.f32 $1.000000000e+00, v21  }
0xe2: {  	v18 =	vxor.u32 v18, v16;
	v19 =	vxor.u32 v19, v12;
	(erf) = vrcp.f32 v23  }
0xe3: {  	v16 =	vadd.s32 v16, v18;
	v23 =	vshrl.u32 v18, $0x1A;
	(erf) = vrcp.f32 v22  }
0xe4: {  	v24 =	vshll.u32 v19, $0x6;
	v18 =	vshll.u32 v18, $0x6;
	v22 =	vshrl.u32 v19, $0x1A  }
0xe5: {  	v12 =	vadd.s32 v12, v19;
	v18 =	vor.u32 v23, v18;
	v19 =	vor.u32 v22, v24  }
0xe6: {  	v6 =	vsel vm1, v9, v6;
	v9 =	vmovc v10;
	v18 =	vxor.u32 v18, v16;
	v19 =	vxor.u32 v19, v12  }
0xe7: {  	v10 =	vmovc v14;
	v4 =	vsel vm0, v8, v4;
	v8 =	vmovc v11;
	v18 =	vadd.s32 $0x1BD11BF1, v18;
	v19 =	vadd.s32 $0x1BD11BF1, v19  }
0xe8: {  	v11 =	vmovc v15;
	v14 =	vadd.s32 v18, v16;
	v16 =	vshrl.u32 v18, $0xF;
	v18 =	vshll.u32 v18, $0x11  }
0xe9: {  	v12 =	vadd.s32 v19, v12;
	v15 =	vshrl.u32 v19, $0xF;
	v19 =	vshll.u32 v19, $0x11  }
0xea: {  	v14 =	vadd.s32 $0x2A, v14;
	v16 =	vor.u32 v16, v18;
	v18 =	vadd.f32 $-1.000000000e+00, v20  }
0xeb: {  	v12 =	vadd.s32 $0x2A, v12;
	v15 =	vor.u32 v15, v19;
	v19 =	vadd.f32 $-1.000000000e+00, v21;
	v20 =	vpop (erf)  }
0xec: {  	v16 =	vxor.u32 v16, v14;
	v15 =	vxor.u32 v15, v12;
	v18 =	vmul.f32 v20, v18;
	v20 =	vpop (erf)  }
0xed: {  	v14 =	vadd.s32 v14, v16;
	v12 =	vadd.s32 v12, v15;
	v19 =	vmul.f32 v20, v19  }
0xee: {  	v20 =	vshrl.u32 v16, $0x3;
	v16 =	vshll.u32 v16, $0x1D;
	v21 =	vmul.f32 v18, v18  }
0xef: {  	v22 =	vshrl.u32 v15, $0x3;
	v15 =	vshll.u32 v15, $0x1D;
	v23 =	vmul.f32 v19, v19  }
0xf0: {  	v15 =	vor.u32 v22, v15;
	v16 =	vor.u32 v20, v16;
	v20 =	vmul.f32 $1.428571490e-01, v21  }
0xf1: {  	v15 =	vxor.u32 v15, v12;
	v16 =	vxor.u32 v16, v14;
	v22 =	vmul.f32 $1.428571490e-01, v23  }
0xf2: {  	v12 =	vadd.s32 v12, v15;
	v14 =	vadd.s32 v14, v16;
	v20 =	vadd.f32 $2.000000030e-01, v20  }
0xf3: {  	v24 =	vshrl.u32 v16, $0x10;
	v16 =	vshll.u32 v16, $0x10;
	v22 =	vadd.f32 $2.000000030e-01, v22  }
0xf4: {  	v25 =	vshrl.u32 v15, $0x10;
	v15 =	vshll.u32 v15, $0x10;
	v20 =	vmul.f32 v20, v21  }
0xf5: {  	v15 =	vor.u32 v25, v15;
	v16 =	vor.u32 v24, v16;
	v22 =	vmul.f32 v22, v23  }
0xf6: {  	v15 =	vxor.u32 v15, v12;
	v16 =	vxor.u32 v16, v14;
	v20 =	vadd.f32 $3.333333430e-01, v20  }
0xf7: {  	v25 =	vadd.s32 v12, v15;
	v24 =	vadd.s32 v14, v16;
	v12 =	vadd.f32 $3.333333430e-01, v22  }
0xf8: {  	v13 =	vshrl.u32 v13, $0x17;
	v14 =	vshrl.u32 v16, $0x8;
	v20 =	vmul.f32 v20, v21  }
0xf9: {  	v17 =	vshrl.u32 v17, $0x17;
	v21 =	vsel vm3, $0x1, v3;
	v12 =	vmul.f32 v12, v23  }
0xfa: {  	v13 =	vadd.s32 v21, v13;
	v21 =	vsel vm2, $0x1, v3;
	v20 =	vmul.f32 v20, v18  }
0xfb: {  	v13 =	vadd.s32 $0xFFFFFF81, v13;
	v17 =	vadd.s32 v21, v17;
	v12 =	vmul.f32 v12, v19  }
0xfc: {  	v13 =	vcvt.s32.f32 v13;
	v17 =	vadd.s32 $0xFFFFFF81, v17;
	v18 =	vadd.f32 v20, v18  }
0xfd: {  	v16 =	vshll.u32 v16, $0x18;
	v17 =	vcvt.s32.f32 v17;
	v12 =	vadd.f32 v12, v19  }
0xfe: {  	v19 =	vshrl.u32 v15, $0x8;
	v20 =	vmul.f32 $1.428606770e-06, v13;
	v18 =	vadd.f32 v18, v18  }
0xff: {  	v15 =	vshll.u32 v15, $0x18;
	v21 =	vmul.f32 $1.428606770e-06, v17;
	v12 =	vadd.f32 v12, v12  }
0x100: {  	v14 =	vor.u32 v14, v16;
	v13 =	vmul.f32 $6.931457510e-01, v13;
	v16 =	vadd.f32 v18, v20  }
.Ltmp0:
0x101: {  	v15 =	vor.u32 v19, v15;
	v17 =	vmul.f32 $6.931457510e-01, v17;
	v12 =	vadd.f32 v12, v21;
	(pc) =	sbr.rel @p0 .LBB2_3-.Ltmp0, $4  }
0x102: {  	v14 =	vxor.u32 v14, v24;
	v15 =	vxor.u32 v15, v25;
	v13 =	vadd.f32 v16, v13  }
0x103: {  	v16 =	vadd.s32 $0x2, v14;
	v14 =	vadd.s32 $0x2, v15;
	v19 =	vadd.f32 v12, v17  }
0x104: {  	v17 =	vadd.s32 v16, v24;
	v15 =	vshrl.u32 v16, $0x13;
	v12 =	vsub.f32 $0.0e+00, v13  }
0x105: {  	s17 =	sadd.s32 $0x80, s17;
	v18 =	vshll.u32 v16, $0xD;
	v16 =	vadd.s32 v14, v25;
	v13 =	vsub.f32 $0.0e+00, v19  }
0x106: {  	v17 =	vadd.s32 $0x1BD11BF0, v17;
	v15 =	vor.u32 v15, v18  }
0x107: {  	v49 =	vshrl.u32 v14, $0x13;
	v50 =	vshll.u32 v14, $0xD;
	v15 =	vxor.u32 v15, v17  }
0x108: {  	v16 =	vadd.s32 $0x1BD11BF0, v16;
	v14 =	vor.u32 v49, v50;
	v17 =	vadd.s32 v17, v15  }
0x109: {  	v14 =	vxor.u32 v14, v16;
	v51 =	vshrl.u32 v15, $0x11;
	v15 =	vshll.u32 v15, $0xF  }
0x10a: {  	v19 =	vshrl.u32 v14, $0x11;
	v20 =	vshll.u32 v14, $0xF;
	v15 =	vor.u32 v51, v15  }
0x10b: {  	v14 =	vadd.s32 v16, v14;
	v52 =	vor.u32 v19, v20;
	v15 =	vxor.u32 v15, v17  }
0x10c: {  	v16 =	vxor.u32 v52, v14;
	v53 =	vshrl.u32 v15, $0x6;
	v54 =	vshll.u32 v15, $0x1A  }
0x10d: {  	v15 =	vadd.s32 v17, v15;
	v55 =	vor.u32 v53, v54;
	v56 =	vshrl.u32 v16, $0x6  }
0x10e: {  	v57 =	vshll.u32 v16, $0x1A;
	v14 =	vadd.s32 v14, v16;
	v17 =	vxor.u32 v55, v15  }
0x10f: {  	v58 =	vor.u32 v56, v57;
	v59 =	vshrl.u32 v17, $0x1A;
	v60 =	vshll.u32 v17, $0x6  }
0x110: {  	v15 =	vadd.s32 v15, v17;
	v16 =	vxor.u32 v58, v14;
	v61 =	vor.u32 v59, v60  }
0x111: {  	v62 =	vshrl.u32 v16, $0x1A;
	v63 =	vshll.u32 v16, $0x6;
	v17 =	vxor.u32 v61, v15  }
0x112: {  	v14 =	vadd.s32 v14, v16;
	v21 =	vor.u32 v62, v63;
	v17 =	vadd.s32 $0x2D, v17  }
0x113: {  	v16 =	vxor.u32 v21, v14;
	v22 =	vshrl.u32 v17, $0xF;
	v23 =	vshll.u32 v17, $0x11  }
0x114: {  	v16 =	vadd.s32 $0x2D, v16;
	v15 =	vadd.s32 v15, v17;
	v24 =	vor.u32 v22, v23  }
0x115: {  	v25 =	vshrl.u32 v16, $0xF;
	v26 =	vshll.u32 v16, $0x11;
	v17 =	vxor.u32 v24, v15  }
0x116: {  	v14 =	vadd.s32 v14, v16;
	v27 =	vor.u32 v25, v26;
	v15 =	vadd.s32 v15, v17  }
0x117: {  	v16 =	vxor.u32 v27, v14;
	v28 =	vshrl.u32 v17, $0x3;
	v17 =	vshll.u32 v17, $0x1D  }
0x118: {  	v29 =	vshrl.u32 v16, $0x3;
	v30 =	vshll.u32 v16, $0x1D;
	v17 =	vor.u32 v28, v17  }
0x119: {  	v14 =	vadd.s32 v14, v16;
	v31 =	vor.u32 v29, v30;
	v17 =	vxor.u32 v17, v15  }
0x11a: {  	v16 =	vxor.u32 v31, v14;
	v15 =	vadd.s32 v15, v17;
	v32 =	vshrl.u32 v17, $0x10  }
0x11b: {  	v17 =	vshll.u32 v17, $0x10;
	v33 =	vshrl.u32 v16, $0x10;
	v34 =	vshll.u32 v16, $0x10  }
0x11c: {  	v17 =	vor.u32 v32, v17;
	v14 =	vadd.s32 v14, v16;
	v35 =	vor.u32 v33, v34  }
0x11d: {  	v17 =	vxor.u32 v17, v15;
	v16 =	vxor.u32 v35, v14  }
0x11e: {  	v15 =	vadd.s32 v15, v17;
	v36 =	vshrl.u32 v17, $0x8;
	v17 =	vshll.u32 v17, $0x18  }
0x11f: {  	v17 =	vor.u32 v36, v17;
	v37 =	vshrl.u32 v16, $0x8;
	v38 =	vshll.u32 v16, $0x18  }
0x120: {  	v14 =	vadd.s32 v14, v16;
	v39 =	vor.u32 v37, v38;
	v17 =	vxor.u32 v17, v15  }
0x121: {  	v17 =	vadd.s32 $0x1BD11BF4, v17;
	v16 =	vxor.u32 v39, v14  }
0x122: {  	v15 =	vadd.s32 v17, v15;
	v16 =	vadd.s32 $0x1BD11BF4, v16  }
0x123: {  	v40 =	vshrl.u32 v17, $0x13;
	v17 =	vshll.u32 v17, $0xD;
	v14 =	vadd.s32 v16, v14  }
0x124: {  	v15 =	vadd.s32 $0x2A, v15;
	v41 =	vshrl.u32 v16, $0x13;
	v16 =	vshll.u32 v16, $0xD  }
0x125: {  	v17 =	vor.u32 v40, v17;
	v14 =	vadd.s32 $0x2A, v14;
	v16 =	vor.u32 v41, v16  }
0x126: {  	v17 =	vxor.u32 v17, v15;
	v16 =	vxor.u32 v16, v14  }
0x127: {  	v15 =	vadd.s32 v15, v17;
	v42 =	vshrl.u32 v17, $0x11;
	v17 =	vshll.u32 v17, $0xF  }
0x128: {  	v17 =	vor.u32 v42, v17;
	v43 =	vshrl.u32 v16, $0x11;
	v44 =	vshll.u32 v16, $0xF  }
0x129: {  	v14 =	vadd.s32 v14, v16;
	v17 =	vxor.u32 v17, v15;
	v45 =	vor.u32 v43, v44  }
0x12a: {  	v15 =	vadd.s32 v15, v17;
	v46 =	vshrl.u32 v17, $0x6;
	v16 =	vxor.u32 v45, v14  }
0x12b: {  	v17 =	vshll.u32 v17, $0x1A;
	v47 =	vshrl.u32 v16, $0x6;
	v48 =	vshll.u32 v16, $0x1A  }
0x12c: {  	v17 =	vor.u32 v46, v17;
	v14 =	vadd.s32 v14, v16;
	v49 =	vor.u32 v47, v48  }
0x12d: {  	v17 =	vxor.u32 v17, v15;
	v16 =	vxor.u32 v49, v14  }
0x12e: {  	v15 =	vadd.s32 v15, v17;
	v50 =	vshrl.u32 v17, $0x1A;
	v17 =	vshll.u32 v17, $0x6  }
0x12f: {  	v17 =	vor.u32 v50, v17;
	v51 =	vshrl.u32 v16, $0x1A;
	v52 =	vshll.u32 v16, $0x6  }
0x130: {  	v14 =	vadd.s32 v14, v16;
	v17 =	vxor.u32 v17, v15;
	v53 =	vor.u32 v51, v52  }
0x131: {  	v15 =	vadd.s32 $0x1BD11BF0, v15;
	v17 =	vadd.s32 $0x5, v17;
	v16 =	vxor.u32 v53, v14  }
0x132: {  	v14 =	vadd.s32 $0x1BD11BF0, v14;
	v15 =	vxor.u32 v15, v17;
	v16 =	vadd.s32 $0x5, v16  }
0x133: {  	v15 =	vshrl.u32 v15, $0x9;
	v14 =	vxor.u32 v14, v16  }
0x134: {  	v15 =	vor.u32 $0x3F800000, v15;
	v14 =	vshrl.u32 v14, $0x9  }
0x135: {  	v15 =	vadd.f32 $-1.000000000e+00, v15;
	v14 =	vor.u32 $0x3F800000, v14  }
0x136: {  	v14 =	vadd.f32 $-1.000000000e+00, v14  }
0x137: {  	v15 =	vmul.f32 $9.999997610e-01, v15  }
0x138: {  	v55 =	vand.u32 $0x7FFFFF, v13;
	v14 =	vmul.f32 $9.999997610e-01, v14  }
0x139: {  	v54 =	vand.u32 $0x7FFFFF, v12;
	v17 =	vor.u32 $0x3F800000, v55;
	v15 =	vadd.f32 $1.000000010e-07, v15  }
0x13a: {  	v16 =	vor.u32 $0x3F800000, v54;
	v57 =	vmul.f32 $5.000000000e-01, v17;
	v14 =	vadd.f32 $1.000000010e-07, v14  }
0x13b: {  	vm1 =	vgt.f32 v17, $1.414213540e+00;
	v56 =	vmul.f32 $5.000000000e-01, v16;
	v15 =	vmax.f32 v15, $1.000000010e-07  }
0x13c: {  	vm0 =	vgt.f32 v16, $1.414213540e+00;
	v58 =	vand.u32 $0x7FFFFF, v15;
	v14 =	vmax.f32 v14, $1.000000010e-07  }
0x13d: {  	v17 =	vsel vm1, v57, v17;
	v18 =	vor.u32 $0x3F800000, v58;
	v59 =	vand.u32 $0x7FFFFF, v14  }
0x13e: {  	v16 =	vsel vm0, v56, v16;
	v22 =	vmul.f32 $5.000000000e-01, v18;
	v20 =	vor.u32 $0x3F800000, v59  }
0x13f: {  	v21 =	vadd.f32 $1.000000000e+00, v16;
	vm3 =	vgt.f32 v18, $1.414213540e+00;
	v60 =	vmul.f32 $5.000000000e-01, v20  }
0x140: {  	v23 =	vadd.f32 $1.000000000e+00, v17;
	vm2 =	vgt.f32 v20, $1.414213540e+00;
	v18 =	vsel vm3, v22, v18  }
0x141: {  	(erf) = vrcp.f32 v21;
	v61 =	vadd.f32 $1.000000000e+00, v18;
	v19 =	vsel vm2, v60, v20  }
0x142: {  	(erf) = vrcp.f32 v23;
	v20 =	vadd.f32 $1.000000000e+00, v19  }
0x143: {  	(erf) = vrcp.f32 v61  }
0x144: {  	(erf) = vrcp.f32 v20;
	_ =	sdelay $0x5  }
0x145: {  	v62 =	vpop (erf)  }
0x146: {  	v18 =	vadd.f32 $-1.000000000e+00, v18;
	v63 =	vpop (erf)  }
0x147: {  	v19 =	vadd.f32 $-1.000000000e+00, v19;
	v26 =	vpop (erf)  }
0x148: {  	v18 =	vmul.f32 v26, v18;
	v27 =	vpop (erf)  }
0x149: {  	v19 =	vmul.f32 v27, v19  }
0x14a: {  	v28 =	vmul.f32 v18, v18  }
0x14b: {  	v29 =	vmul.f32 v19, v19  }
0x14c: {  	v24 =	vmul.f32 $1.428571490e-01, v28  }
0x14d: {  	v25 =	vmul.f32 $1.428571490e-01, v29  }
0x14e: {  	v24 =	vadd.f32 $2.000000030e-01, v24  }
0x14f: {  	v25 =	vadd.f32 $2.000000030e-01, v25  }
0x150: {  	v24 =	vmul.f32 v24, v28  }
0x151: {  	v25 =	vmul.f32 v25, v29  }
0x152: {  	v24 =	vadd.f32 $3.333333430e-01, v24  }
0x153: {  	v25 =	vadd.f32 $3.333333430e-01, v25  }
0x154: {  	v15 =	vshrl.u32 v15, $0x17;
	v22 =	vmul.f32 v24, v28  }
0x155: {  	v14 =	vshrl.u32 v14, $0x17;
	v30 =	vsel vm3, $0x1, v3;
	v23 =	vmul.f32 v25, v29  }
0x156: {  	v15 =	vadd.s32 v30, v15;
	v31 =	vsel vm2, $0x1, v3;
	v22 =	vmul.f32 v22, v18  }
0x157: {  	v15 =	vadd.s32 $0xFFFFFF81, v15;
	v14 =	vadd.s32 v31, v14;
	v23 =	vmul.f32 v23, v19  }
0x158: {  	v15 =	vcvt.s32.f32 v15;
	v14 =	vadd.s32 $0xFFFFFF81, v14;
	v18 =	vadd.f32 v22, v18  }
0x159: {  	v14 =	vcvt.s32.f32 v14;
	v19 =	vadd.f32 v23, v19  }
0x15a: {  	v32 =	vmul.f32 $1.428606770e-06, v15;
	v18 =	vadd.f32 v18, v18  }
0x15b: {  	v33 =	vmul.f32 $1.428606770e-06, v14;
	v19 =	vadd.f32 v19, v19  }
0x15c: {  	v15 =	vmul.f32 $6.931457510e-01, v15;
	v18 =	vadd.f32 v18, v32  }
0x15d: {  	v14 =	vmul.f32 $6.931457510e-01, v14;
	v19 =	vadd.f32 v19, v33  }
0x15e: {  	v15 =	vadd.f32 v18, v15  }
0x15f: {  	v14 =	vadd.f32 v19, v14  }
0x160: {  	v15 =	vsub.f32 $0.0e+00, v15  }
0x161: {  	v14 =	vsub.f32 $0.0e+00, v14  }
0x162: {  	v34 =	vand.u32 $0x7FFFFF, v15  }
0x163: {  	v18 =	vor.u32 $0x3F800000, v34;
	v35 =	vand.u32 $0x7FFFFF, v14  }
0x164: {  	v36 =	vmul.f32 $5.000000000e-01, v18;
	v19 =	vor.u32 $0x3F800000, v35  }
0x165: {  	vm10 =	vgt.f32 v18, $1.414213540e+00;
	v37 =	vmul.f32 $5.000000000e-01, v19  }
0x166: {  	vm11 =	vgt.f32 v19, $1.414213540e+00;
	v18 =	vsel vm10, v36, v18  }
0x167: {  	v22 =	vadd.f32 $1.000000000e+00, v18;
	v19 =	vsel vm11, v37, v19  }
0x168: {  	v23 =	vadd.f32 $1.000000000e+00, v19  }
0x169: {  	(erf) = vrcp.f32 v22  }
0x16a: {  	v16 =	vadd.f32 $-1.000000000e+00, v16;
	(erf) = vrcp.f32 v23  }
0x16b: {  	v17 =	vadd.f32 $-1.000000000e+00, v17  }
0x16c: {  	v16 =	vmul.f32 v62, v16  }
0x16d: {  	v17 =	vmul.f32 v63, v17  }
0x16e: {  	v20 =	vmul.f32 v16, v16  }
0x16f: {  	v21 =	vmul.f32 v17, v17  }
0x170: {  	v42 =	vshra.s32 v12, $0x17;
	v38 =	vmul.f32 $1.428571490e-01, v20  }
0x171: {  	v45 =	vshra.s32 v13, $0x17;
	v39 =	vmul.f32 $1.428571490e-01, v21;
	v18 =	vadd.f32 $-1.000000000e+00, v18  }
0x172: {  	v43 =	vsel vm0, $0x1, v3;
	v19 =	vadd.f32 $-1.000000000e+00, v19;
	v22 =	vadd.f32 $2.000000030e-01, v38;
	v40 =	vpop (erf)  }
0x173: {  	v12 =	vadd.s32 v43, v42;
	v23 =	vadd.f32 $2.000000030e-01, v39;
	v18 =	vmul.f32 v40, v18;
	v41 =	vpop (erf)  }
0x174: {  	v12 =	vadd.s32 $0xFFFFFF81, v12;
	v22 =	vmul.f32 v22, v20;
	v19 =	vmul.f32 v41, v19  }
0x175: {  	v26 =	vsel vm1, $0x1, v3;
	v23 =	vmul.f32 v23, v21;
	v44 =	vmul.f32 v18, v18  }
0x176: {  	v12 =	vcvt.s32.f32 v12;
	v13 =	vadd.s32 v26, v45;
	v46 =	vmul.f32 v19, v19  }
0x177: {  	v22 =	vadd.f32 $3.333333430e-01, v22;
	v23 =	vadd.f32 $3.333333430e-01, v23;
	v47 =	vmul.f32 $1.428571490e-01, v44  }
0x178: {  	v51 =	vmul.f32 $1.428606770e-06, v12;
	v13 =	vadd.s32 $0xFFFFFF81, v13;
	v48 =	vmul.f32 $1.428571490e-01, v46  }
0x179: {  	v20 =	vmul.f32 v22, v20;
	v21 =	vmul.f32 v23, v21;
	v23 =	vadd.f32 $2.000000030e-01, v47  }
0x17a: {  	v12 =	vmul.f32 $6.931457510e-01, v12;
	v13 =	vcvt.s32.f32 v13;
	v24 =	vadd.f32 $2.000000030e-01, v48  }
0x17b: {  	v20 =	vmul.f32 v20, v16;
	v49 =	vmul.f32 v23, v44  }
0x17c: {  	v21 =	vmul.f32 v21, v17;
	v50 =	vmul.f32 v24, v46  }
0x17d: {  	v52 =	vmul.f32 $1.428606770e-06, v13;
	v16 =	vadd.f32 v20, v16;
	v20 =	vadd.f32 $3.333333430e-01, v49  }
0x17e: {  	v13 =	vmul.f32 $6.931457510e-01, v13;
	v17 =	vadd.f32 v21, v17;
	v21 =	vadd.f32 $3.333333430e-01, v50  }
0x17f: {  	v15 =	vshra.s32 v15, $0x17;
	v53 =	vsel vm10, $0x1, v3;
	v20 =	vmul.f32 v20, v44  }
0x180: {  	v14 =	vshra.s32 v14, $0x17;
	v15 =	vadd.s32 v53, v15;
	v21 =	vmul.f32 v21, v46  }
0x181: {  	v54 =	vsel vm11, $0x1, v3;
	v15 =	vadd.s32 $0xFFFFFF81, v15;
	v20 =	vmul.f32 v20, v18  }
0x182: {  	v14 =	vadd.s32 v54, v14;
	v15 =	vcvt.s32.f32 v15;
	v21 =	vmul.f32 v21, v19  }
0x183: {  	v14 =	vadd.s32 $0xFFFFFF81, v14;
	v16 =	vadd.f32 v16, v16;
	v18 =	vadd.f32 v20, v18  }
0x184: {  	v14 =	vcvt.s32.f32 v14;
	v17 =	vadd.f32 v17, v17;
	v19 =	vadd.f32 v21, v19  }
0x185: {  	s14 =	sshra.s32 s14, $0x2;
	v55 =	vmul.f32 $1.428606770e-06, v15;
	v16 =	vadd.f32 v16, v51;
	v18 =	vadd.f32 v18, v18  }
0x186: {  	v56 =	vld [tilespmem:s14+$0x0];
	v57 =	vmul.f32 $1.428606770e-06, v14;
	v17 =	vadd.f32 v17, v52;
	v19 =	vadd.f32 v19, v19  }
0x187: {  	s31 =	sshra.s32 s15, $0x2;
	v58 =	vld [tilespmem:s14+$0x10];
	v15 =	vmul.f32 $6.931457510e-01, v15;
	v12 =	vadd.f32 v16, v12;
	v59 =	vadd.f32 v18, v55  }
0x188: {  	v60 =	vld [tilespmem:s31+$0x0];
	v14 =	vmul.f32 $6.931457510e-01, v14;
	v13 =	vadd.f32 v17, v13;
	v61 =	vadd.f32 v19, v57  }
0x189: {  	v62 =	vld [tilespmem:s31+$0x10];
	v12 =	vsub.f32 $0.0e+00, v12;
	v15 =	vadd.f32 v59, v15  }
0x18a: {  	v13 =	vsub.f32 $0.0e+00, v13;
	v14 =	vadd.f32 v61, v14  }
0x18b: {  	s13 =	sadd.s32 $0x1, s13;
	v12 =	vadd.f32 v56, v12;
	v15 =	vsub.f32 $0.0e+00, v15  }
0x18c: {  	p0 =	sne.s32 s13, $0x30;
	v13 =	vadd.f32 v58, v13;
	v14 =	vsub.f32 $0.0e+00, v14  }
.Ltmp1:
0x18d: {  	vm12 =	vgt.f32 v12, v7;
	v15 =	vadd.f32 v60, v15;
	(pc) =	sbr.rel @p0 .LBB2_2-.Ltmp1, $4  }
0x18e: {  	vm13 =	vgt.f32 v13, v5;
	v7 =	vsel vm12, v12, v7;
	v63 =	vadd.f32 v62, v14  }
0x18f: {  	v6 =	vsel vm12, v9, v6;
	v5 =	vsel vm13, v13, v5;
	vm14 =	vgt.f32 v15, v7  }
0x190: {  	v4 =	vsel vm13, v8, v4;
	vm15 =	vgt.f32 v63, v5;
	v7 =	vsel vm14, v15, v7  }
0x191: {  	s12 =	sadd.s32 $0x1000, s12;
	v6 =	vsel vm14, v10, v6;
	v5 =	vsel vm15, v63, v5;
	v4 =	vsel vm15, v11, v4  }
0x192: {  	vm0 =	vgt.f32 v5, v7  }
0x193: {  	v5 =	vsel vm0, v5, v7  }
0x194: {  	v4 =	vsel vm0, v4, v6;
	[tilespmem:$0x1000] =	vst v5  }
0x195: {  	[tilespmem:$0x1010] =	vst v4  }
0x196: {  	[hbm4b:s5+s3] =	stream.linear.scatter [tilespmem:s9], [sflag:$0x1], $0x10, $0x38;
	[tilespmem:$0x1020] =	vst v63  }
0x197: {  	s11 =	sadd.s32 $0x1, s11;
	_ =	swait.ge [sflag:s8], $0x10  }
0x198: {  	p0 =	sne.s32 s11, s7;
	[sflag:s8] =	ssyncset.done $0x0  }
.Ltmp2:
0x199: {  	[sflag:s8] =	ssyncadd.s32 $0xFFFFFFF0;
	(pc) =	sbr.rel @p0 .LBB2_1-.Ltmp2, $4  }
0x19a: {  	[hbm4b:s6+s3] =	stream.linear.scatter [tilespmem:s10], [sflag:$0x1], $0x10, $0x38;
	[tilespmem:$0x1020] =	vst v63  }
0x19b: {  	_ =	swait.ge [sflag:s8], $0x10  }
0x19c: {  	[sflag:s8] =	ssyncset.done $0x0  }
0x19d: {  	[sflag:s8] =	ssyncadd.s32 $0xFFFFFFF0  }
0x19e: {  	_ =	sfence.sel $0x180000  }
0x19f: {  	[bflag:$0x0] =	sbarrier.arrive $0xFFFF  }
0x1a0: {  	p0 =	sne.s32 s1, $0x0;
	_ =	strace $0x90000047  }
0x1a1: {  	s0 =	sadd.s32 @!p0 $0x100000, s0;
	[bflag:$0x2] =	sbarrier.arrive $0xFFFF  }
0x1a2: {  	[sflag:s0] =	ssyncadd.tile.s32 @!p0 $0x1;
	_ =	shalt  }
.Lfunc_end2:
_tile_overlayer_lowered:
.L_overlay_start_2:
0x1a3: {  	(tag) =	ssettag $0x2  }
0x1a4: {  	s0 =	rddreg [dreg:$0x0];
	s2 =	stileid.u32  }
0x1a5: {  	s1 =	rddreg [dreg:$0x1];
	p0 =	sne.s32 s2, $0x0  }
0x1a6: {  	s3 =	rddreg [dreg:$0x2];
	[bflag:$0x3] =	sbarrier.arrive $0xFFFF;
	s2 =	simm.s32 @!p0 $0x1C01  }
0x1a7: {  	[timem:s3], [sflag:s2] =	dma.local @!p0 [hbm:s0], s1  }
0x1a8: {  	s0 =	simm.s32 @!p0 $0x1  }
0x1a9: {  	_ =	swait.ge @!p0 [sflag:s0], s1  }
0x1aa: {  	s1 =	ssub.s32 @!p0 $0x0, s1;
	[sflag:s0] =	ssyncset.done @!p0 $0x0  }
0x1ab: {  	[sflag:s0] =	ssyncadd.s32 @!p0 s1  }
0x1ac: {  	[bflag:$0x3] =	sbarrier.arrive $0xFFFF  }
0x1ad: {  	_ =	shalt  }

</sc_bundles>
